<compile_context>
chip_gen: v7x
topology: tpu7x:2x2x1
jax: 0.10.2.dev20260603
libtpu: 0.0.44.dev20260713+nightly
codegen_flags: <defaults>
</compile_context>

<pallas_src>
import jax
import jax.numpy as jnp
from jax import lax
from jax.experimental import pallas as pl
from jax.experimental.pallas import tpu as pltpu
from jax.experimental.pallas import tpu_sc as plsc

B = 16384
D_UA, D_GEO, D_ME = 16, 8, 4
D_OUT = D_UA + D_GEO + D_ME
N_UA, N_GEO, N_ME = 100, 50, 5
NC, NS = 2, 16
NW = NC * NS
BPW = B // NW
CHUNK = 16
NCHUNK = BPW // CHUNK
HALF = BPW // 2

_GDN = lax.GatherDimensionNumbers(
    offset_dims=(), collapsed_slice_dims=(0,), start_index_map=(0,))


def _bcast4(vec, sel):
    return lax.gather(vec, sel[:, None], dimension_numbers=_GDN,
                      slice_sizes=(1,),
                      mode=lax.GatherScatterMode.PROMISE_IN_BOUNDS)


def _emb_body(ua_id, geo_id, me_id, ua_t, geo_t, me_t, out,
              ua_i_v, geo_i_v, me_i_v, ua_tv, geo_tv, me_tv, out_v,
              s0, s1, s2):
    wid = lax.axis_index("s") * NC + lax.axis_index("c")
    base = wid * BPW

    c0 = pltpu.async_copy(ua_id.at[pl.ds(base, BPW)], ua_i_v, s0)
    c1 = pltpu.async_copy(geo_id.at[pl.ds(base, BPW)], geo_i_v, s1)
    c2 = pltpu.async_copy(me_id.at[pl.ds(base, BPW)], me_i_v, s2)
    t0 = pltpu.async_copy(ua_t, ua_tv, s0)
    t1 = pltpu.async_copy(geo_t, geo_tv, s1)
    t2 = pltpu.async_copy(me_t, me_tv, s2)
    c0.wait()
    c1.wait()
    c2.wait()
    t0.wait()
    t1.wait()
    t2.wait()

    iota = lax.iota(jnp.int32, 16)
    jr = iota // 4
    jc = iota % 4
    sels = [jr + 4 * a for a in range(4)]
    cua = [(4 * k + jc) * N_UA for k in range(4)]
    col_ua = [4 * k + jc for k in range(4)]
    cgeo = [(4 * k + jc) * N_GEO for k in range(2)]
    col_geo = [D_UA + 4 * k + jc for k in range(2)]
    cme = jc * N_ME
    col_me = D_UA + D_GEO + jc

    def chunk_body(i, carry):
        off = i * CHUNK
        ids16_ua = ua_i_v[pl.ds(off, CHUNK)]
        ids16_geo = geo_i_v[pl.ds(off, CHUNK)]
        ids16_me = me_i_v[pl.ds(off, CHUNK)]
        patches = []
        for a in range(4):
            rowpat = off + sels[a]
            ids4_ua = _bcast4(ids16_ua, sels[a])
            ids4_geo = _bcast4(ids16_geo, sels[a])
            ids4_me = _bcast4(ids16_me, sels[a])
            for k in range(4):
                vals = plsc.load_gather(ua_tv, [ids4_ua + cua[k]])
                patches.append((vals, rowpat, col_ua[k]))
            for k in range(2):
                vals = plsc.load_gather(geo_tv, [ids4_geo + cgeo[k]])
                patches.append((vals, rowpat, col_geo[k]))
            vals = plsc.load_gather(me_tv, [ids4_me + cme])
            patches.append((vals, rowpat, col_me))
        for vals, rowpat, col in patches:
            plsc.store_scatter(out_v, [rowpat, col], vals)
        return carry

    lax.fori_loop(0, NCHUNK // 2, chunk_body, 0, unroll=1)
    w0 = pltpu.async_copy(out_v.at[pl.ds(0, HALF)],
                          out.at[pl.ds(base, HALF)], s0)
    lax.fori_loop(NCHUNK // 2, NCHUNK, chunk_body, 0, unroll=1)
    w1 = pltpu.async_copy(out_v.at[pl.ds(HALF, HALF)],
                          out.at[pl.ds(base + HALF, HALF)], s1)
    w0.wait()
    w1.wait()


_mesh = plsc.VectorSubcoreMesh(core_axis_name="c", subcore_axis_name="s")

_emb_call = pl.kernel(
    _emb_body,
    out_type=jax.ShapeDtypeStruct((B, D_OUT), jnp.float32),
    mesh=_mesh,
    scratch_types=[
        pltpu.VMEM((BPW,), jnp.int32),
        pltpu.VMEM((BPW,), jnp.int32),
        pltpu.VMEM((BPW,), jnp.int32),
        pltpu.VMEM((N_UA * D_UA,), jnp.float32),
        pltpu.VMEM((N_GEO * D_GEO,), jnp.float32),
        pltpu.VMEM((N_ME * D_ME,), jnp.float32),
        pltpu.VMEM((BPW, D_OUT), jnp.float32),
        pltpu.SemaphoreType.DMA,
        pltpu.SemaphoreType.DMA,
        pltpu.SemaphoreType.DMA,
    ],
    compiler_params=pltpu.CompilerParams(needs_layout_passes=False),
)


@jax.jit
def kernel(ua_id, geo_id, method_id, ua_table, geo_table, method_table):
    return _emb_call(
        ua_id.astype(jnp.int32),
        geo_id.astype(jnp.int32),
        method_id.astype(jnp.int32),
        ua_table.T.reshape(-1), geo_table.T.reshape(-1),
        method_table.T.reshape(-1),
    )

# --- scband reference (transcript-rebuilt; emitter-appended) ---
"""Pipeline reference for scband-categorical-embedder-9646496547218 (READ-ONLY COPY).

The authoritative reference and input builder live on the scoring server;
editing this copy changes nothing except your own understanding.
"""

import jax, jax.numpy as jnp
import numpy as np

def setup_inputs(seed: int = 0) -> dict:
    key = jax.random.key(seed)
    k1, k2, k3, k4, k5, k6 = jax.random.split(key, 6)
    B = 16384
    ua_id = jax.random.randint(k1, (B,), 0, 100, dtype=jnp.int64) if jax.config.jax_enable_x64 else jax.random.randint(k1, (B,), 0, 100, dtype=jnp.int32)
    geo_id = jax.random.randint(k2, (B,), 0, 50, dtype=jnp.int32)
    method_id = jax.random.randint(k3, (B,), 0, 5, dtype=jnp.int32)
    ua_table = jax.random.normal(k4, (100, 16), dtype=jnp.float32)
    geo_table = jax.random.normal(k5, (50, 8), dtype=jnp.float32)
    method_table = jax.random.normal(k6, (5, 4), dtype=jnp.float32)
    return {"ua_id": ua_id, "geo_id": geo_id, "method_id": method_id,
            "ua_table": ua_table, "geo_table": geo_table, "method_table": method_table}

def reference(ua_id, geo_id, method_id, ua_table, geo_table, method_table):
    ua_vec = jnp.take(ua_table, ua_id, axis=0)
    geo_vec = jnp.take(geo_table, geo_id, axis=0)
    method_vec = jnp.take(method_table, method_id, axis=0)
    return jnp.concatenate([ua_vec, geo_vec, method_vec], axis=-1)

if __name__ == "__main__":
    import jax
    _d = setup_inputs()
    print(jax.jit(kernel)(*tuple(_d.values())))

</pallas_src>

<mosaic_0001>
#map = affine_map<(d0, d1) -> (0)>
#map1 = affine_map<(d0, d1) -> (0, 0)>
module attributes {stable_mosaic.version = 14 : i64} {
  func.func @_emb_body(%arg0: i32, %arg1: i32, %arg2: memref<16384xi32, #tpu.memory_space<hbm>>, %arg3: memref<16384xi32, #tpu.memory_space<hbm>>, %arg4: memref<16384xi32, #tpu.memory_space<hbm>>, %arg5: memref<1600xf32, #tpu.memory_space<hbm>>, %arg6: memref<400xf32, #tpu.memory_space<hbm>>, %arg7: memref<20xf32, #tpu.memory_space<hbm>>, %arg8: memref<16384x28xf32, #tpu.memory_space<hbm>>, %arg9: memref<512xi32, #tpu.memory_space<vmem>>, %arg10: memref<512xi32, #tpu.memory_space<vmem>>, %arg11: memref<512xi32, #tpu.memory_space<vmem>>, %arg12: memref<1600xf32, #tpu.memory_space<vmem>>, %arg13: memref<400xf32, #tpu.memory_space<vmem>>, %arg14: memref<20xf32, #tpu.memory_space<vmem>>, %arg15: memref<512x28xf32, #tpu.memory_space<vmem>>, %arg16: memref<!tpu.dma_semaphore, #tpu.memory_space<semaphore_mem>>, %arg17: memref<!tpu.dma_semaphore, #tpu.memory_space<semaphore_mem>>, %arg18: memref<!tpu.dma_semaphore, #tpu.memory_space<semaphore_mem>>) attributes {dimension_semantics = [#tpu.dimension_semantics<core_parallel>, #tpu.dimension_semantics<subcore_parallel>], iteration_bounds = array<i64: 2, 16>, scalar_prefetch = 0 : i64, scratch_operands = 10 : i64, tpu.core_type = #tpu.core_type<sc_vector_subcore>, window_params = [{transform_indices = #map}, {transform_indices = #map}, {transform_indices = #map}, {transform_indices = #map}, {transform_indices = #map}, {transform_indices = #map}, {transform_indices = #map1}]} {
    %mul3A = arith.constant 2 : i32
    %mul3A_0 = arith.muli %arg1, %mul3A : i32
    %add3A = arith.addi %mul3A_0, %arg0 : i32
    %mul3A_1 = arith.constant 512 : i32
    %mul3A_2 = arith.muli %add3A, %mul3A_1 : i32
    %dma_start3A = tpu.memref_slice %arg2[%mul3A_2] : memref<16384xi32, #tpu.memory_space<hbm>> -> memref<512xi32, #tpu.memory_space<hbm>>
    %dma_start3A_3 = tpu.memref_slice %arg2[%mul3A_2] : memref<16384xi32, #tpu.memory_space<hbm>> -> memref<512xi32, #tpu.memory_space<hbm>>
    tpu.enqueue_dma source(%dma_start3A_3 : memref<512xi32, #tpu.memory_space<hbm>>) target(%arg9 : memref<512xi32, #tpu.memory_space<vmem>>) target_semaphore(%arg16 : memref<!tpu.dma_semaphore, #tpu.memory_space<semaphore_mem>>)
    %dma_start3A_4 = tpu.memref_slice %arg3[%mul3A_2] : memref<16384xi32, #tpu.memory_space<hbm>> -> memref<512xi32, #tpu.memory_space<hbm>>
    %dma_start3A_5 = tpu.memref_slice %arg3[%mul3A_2] : memref<16384xi32, #tpu.memory_space<hbm>> -> memref<512xi32, #tpu.memory_space<hbm>>
    tpu.enqueue_dma source(%dma_start3A_5 : memref<512xi32, #tpu.memory_space<hbm>>) target(%arg10 : memref<512xi32, #tpu.memory_space<vmem>>) target_semaphore(%arg17 : memref<!tpu.dma_semaphore, #tpu.memory_space<semaphore_mem>>)
    %dma_start3A_6 = tpu.memref_slice %arg4[%mul3A_2] : memref<16384xi32, #tpu.memory_space<hbm>> -> memref<512xi32, #tpu.memory_space<hbm>>
    %dma_start3A_7 = tpu.memref_slice %arg4[%mul3A_2] : memref<16384xi32, #tpu.memory_space<hbm>> -> memref<512xi32, #tpu.memory_space<hbm>>
    tpu.enqueue_dma source(%dma_start3A_7 : memref<512xi32, #tpu.memory_space<hbm>>) target(%arg11 : memref<512xi32, #tpu.memory_space<vmem>>) target_semaphore(%arg18 : memref<!tpu.dma_semaphore, #tpu.memory_space<semaphore_mem>>)
    tpu.enqueue_dma source(%arg5 : memref<1600xf32, #tpu.memory_space<hbm>>) target(%arg12 : memref<1600xf32, #tpu.memory_space<vmem>>) target_semaphore(%arg16 : memref<!tpu.dma_semaphore, #tpu.memory_space<semaphore_mem>>)
    tpu.enqueue_dma source(%arg6 : memref<400xf32, #tpu.memory_space<hbm>>) target(%arg13 : memref<400xf32, #tpu.memory_space<vmem>>) target_semaphore(%arg17 : memref<!tpu.dma_semaphore, #tpu.memory_space<semaphore_mem>>)
    tpu.enqueue_dma source(%arg7 : memref<20xf32, #tpu.memory_space<hbm>>) target(%arg14 : memref<20xf32, #tpu.memory_space<vmem>>) target_semaphore(%arg18 : memref<!tpu.dma_semaphore, #tpu.memory_space<semaphore_mem>>)
    %dma_wait3A = tpu.memref_slice %arg2[%mul3A_2] : memref<16384xi32, #tpu.memory_space<hbm>> -> memref<512xi32, #tpu.memory_space<hbm>>
    %dma_wait3A_8 = tpu.memref_slice %arg2[%mul3A_2] : memref<16384xi32, #tpu.memory_space<hbm>> -> memref<512xi32, #tpu.memory_space<hbm>>
    tpu.wait_dma2 semaphore(%arg16 : memref<!tpu.dma_semaphore, #tpu.memory_space<semaphore_mem>>) src(%dma_wait3A_8 : memref<512xi32, #tpu.memory_space<hbm>>) dst(%arg9 : memref<512xi32, #tpu.memory_space<vmem>>)
    %dma_wait3A_9 = tpu.memref_slice %arg3[%mul3A_2] : memref<16384xi32, #tpu.memory_space<hbm>> -> memref<512xi32, #tpu.memory_space<hbm>>
    %dma_wait3A_10 = tpu.memref_slice %arg3[%mul3A_2] : memref<16384xi32, #tpu.memory_space<hbm>> -> memref<512xi32, #tpu.memory_space<hbm>>
    tpu.wait_dma2 semaphore(%arg17 : memref<!tpu.dma_semaphore, #tpu.memory_space<semaphore_mem>>) src(%dma_wait3A_10 : memref<512xi32, #tpu.memory_space<hbm>>) dst(%arg10 : memref<512xi32, #tpu.memory_space<vmem>>)
    %dma_wait3A_11 = tpu.memref_slice %arg4[%mul3A_2] : memref<16384xi32, #tpu.memory_space<hbm>> -> memref<512xi32, #tpu.memory_space<hbm>>
    %dma_wait3A_12 = tpu.memref_slice %arg4[%mul3A_2] : memref<16384xi32, #tpu.memory_space<hbm>> -> memref<512xi32, #tpu.memory_space<hbm>>
    tpu.wait_dma2 semaphore(%arg18 : memref<!tpu.dma_semaphore, #tpu.memory_space<semaphore_mem>>) src(%dma_wait3A_12 : memref<512xi32, #tpu.memory_space<hbm>>) dst(%arg11 : memref<512xi32, #tpu.memory_space<vmem>>)
    tpu.wait_dma2 semaphore(%arg16 : memref<!tpu.dma_semaphore, #tpu.memory_space<semaphore_mem>>) src(%arg5 : memref<1600xf32, #tpu.memory_space<hbm>>) dst(%arg12 : memref<1600xf32, #tpu.memory_space<vmem>>)
    tpu.wait_dma2 semaphore(%arg17 : memref<!tpu.dma_semaphore, #tpu.memory_space<semaphore_mem>>) src(%arg6 : memref<400xf32, #tpu.memory_space<hbm>>) dst(%arg13 : memref<400xf32, #tpu.memory_space<vmem>>)
    tpu.wait_dma2 semaphore(%arg18 : memref<!tpu.dma_semaphore, #tpu.memory_space<semaphore_mem>>) src(%arg7 : memref<20xf32, #tpu.memory_space<hbm>>) dst(%arg14 : memref<20xf32, #tpu.memory_space<vmem>>)
    %iota3A = tpu.iota {dimensions = array<i32: 0>} : vector<16xi32>
    %jit3A = arith.constant 4 : i32
    %div3A = vector.broadcast %jit3A : i32 to vector<16xi32>
    %div3A_13 = arith.divsi %iota3A, %div3A : vector<16xi32>
    %sign3A = arith.constant 0 : i32
    %sign3A_14 = vector.broadcast %sign3A : i32 to vector<16xi32>
    %sign3A_15 = arith.cmpi sgt, %iota3A, %sign3A_14 : vector<16xi32>
    %sign3A_16 = arith.extui %sign3A_15 : vector<16xi1> to vector<16xi32>
    %sign3A_17 = arith.constant 0 : i32
    %sign3A_18 = vector.broadcast %sign3A_17 : i32 to vector<16xi32>
    %sign3A_19 = arith.cmpi slt, %iota3A, %sign3A_18 : vector<16xi32>
    %sign3A_20 = arith.extui %sign3A_19 : vector<16xi1> to vector<16xi32>
    %sign3A_21 = arith.subi %sign3A_16, %sign3A_20 : vector<16xi32>
    %sign3A_22 = arith.constant 0 : i32
    %sign3A_23 = arith.cmpi sgt, %jit3A, %sign3A_22 : i32
    %sign3A_24 = arith.extui %sign3A_23 : i1 to i32
    %sign3A_25 = arith.constant 0 : i32
    %sign3A_26 = arith.cmpi slt, %jit3A, %sign3A_25 : i32
    %sign3A_27 = arith.extui %sign3A_26 : i1 to i32
    %sign3A_28 = arith.subi %sign3A_24, %sign3A_27 : i32
    %ne3A = vector.broadcast %sign3A_28 : i32 to vector<16xi32>
    %ne3A_29 = arith.cmpi ne, %sign3A_21, %ne3A : vector<16xi32>
    %rem3A = vector.broadcast %jit3A : i32 to vector<16xi32>
    %rem3A_30 = arith.remsi %iota3A, %rem3A : vector<16xi32>
    %ne3A_31 = arith.constant 0 : i32
    %ne3A_32 = vector.broadcast %ne3A_31 : i32 to vector<16xi32>
    %ne3A_33 = arith.cmpi ne, %rem3A_30, %ne3A_32 : vector<16xi32>
    %and3A = arith.andi %ne3A_29, %ne3A_33 : vector<16xi1>
    %sub3A = arith.constant 1 : i32
    %sub3A_34 = vector.broadcast %sub3A : i32 to vector<16xi32>
    %sub3A_35 = arith.subi %div3A_13, %sub3A_34 : vector<16xi32>
    %select_n3A = arith.select %and3A, %sub3A_35, %div3A_13 : vector<16xi1>, vector<16xi32>
    %jit3A_36 = arith.constant 4 : i32
    %eq3A = arith.constant 0 : i32
    %eq3A_37 = arith.cmpi eq, %jit3A_36, %eq3A : i32
    %jit3A_38 = arith.constant 1 : i32
    %select_n3A_39 = arith.select %eq3A_37, %jit3A_38, %jit3A_36 : i32
    %rem3A_40 = vector.broadcast %select_n3A_39 : i32 to vector<16xi32>
    %rem3A_41 = arith.remsi %iota3A, %rem3A_40 : vector<16xi32>
    %ne3A_42 = arith.constant 0 : i32
    %ne3A_43 = vector.broadcast %ne3A_42 : i32 to vector<16xi32>
    %ne3A_44 = arith.cmpi ne, %rem3A_41, %ne3A_43 : vector<16xi32>
    %lt3A = arith.constant 0 : i32
    %lt3A_45 = vector.broadcast %lt3A : i32 to vector<16xi32>
    %lt3A_46 = arith.cmpi slt, %rem3A_41, %lt3A_45 : vector<16xi32>
    %lt3A_47 = arith.constant 0 : i32
    %lt3A_48 = arith.cmpi slt, %select_n3A_39, %lt3A_47 : i32
    %ne3A_49 = vector.broadcast %lt3A_48 : i1 to vector<16xi1>
    %ne3A_50 = vector.broadcast %ne3A_49 : vector<16xi1> to vector<16xi1>
    %ne3A_51 = arith.xori %lt3A_46, %ne3A_50 : vector<16xi1>
    %and3A_52 = arith.andi %ne3A_51, %ne3A_44 : vector<16xi1>
    %add3A_53 = vector.broadcast %select_n3A_39 : i32 to vector<16xi32>
    %add3A_54 = arith.addi %rem3A_41, %add3A_53 : vector<16xi32>
    %select_n3A_55 = arith.select %and3A_52, %add3A_54, %rem3A_41 : vector<16xi1>, vector<16xi32>
    %add3A_56 = arith.constant 0 : i32
    %add3A_57 = vector.broadcast %add3A_56 : i32 to vector<16xi32>
    %add3A_58 = arith.addi %select_n3A, %add3A_57 : vector<16xi32>
    %add3A_59 = arith.constant 4 : i32
    %add3A_60 = vector.broadcast %add3A_59 : i32 to vector<16xi32>
    %add3A_61 = arith.addi %select_n3A, %add3A_60 : vector<16xi32>
    %add3A_62 = arith.constant 8 : i32
    %add3A_63 = vector.broadcast %add3A_62 : i32 to vector<16xi32>
    %add3A_64 = arith.addi %select_n3A, %add3A_63 : vector<16xi32>
    %add3A_65 = arith.constant 12 : i32
    %add3A_66 = vector.broadcast %add3A_65 : i32 to vector<16xi32>
    %add3A_67 = arith.addi %select_n3A, %add3A_66 : vector<16xi32>
    %add3A_68 = arith.constant 0 : i32
    %add3A_69 = vector.broadcast %add3A_68 : i32 to vector<16xi32>
    %add3A_70 = arith.addi %add3A_69, %select_n3A_55 : vector<16xi32>
    %mul3A_71 = arith.constant 100 : i32
    %mul3A_72 = vector.broadcast %mul3A_71 : i32 to vector<16xi32>
    %mul3A_73 = arith.muli %add3A_70, %mul3A_72 : vector<16xi32>
    %add3A_74 = arith.constant 4 : i32
    %add3A_75 = vector.broadcast %add3A_74 : i32 to vector<16xi32>
    %add3A_76 = arith.addi %add3A_75, %select_n3A_55 : vector<16xi32>
    %mul3A_77 = arith.constant 100 : i32
    %mul3A_78 = vector.broadcast %mul3A_77 : i32 to vector<16xi32>
    %mul3A_79 = arith.muli %add3A_76, %mul3A_78 : vector<16xi32>
    %add3A_80 = arith.constant 8 : i32
    %add3A_81 = vector.broadcast %add3A_80 : i32 to vector<16xi32>
    %add3A_82 = arith.addi %add3A_81, %select_n3A_55 : vector<16xi32>
    %mul3A_83 = arith.constant 100 : i32
    %mul3A_84 = vector.broadcast %mul3A_83 : i32 to vector<16xi32>
    %mul3A_85 = arith.muli %add3A_82, %mul3A_84 : vector<16xi32>
    %add3A_86 = arith.constant 12 : i32
    %add3A_87 = vector.broadcast %add3A_86 : i32 to vector<16xi32>
    %add3A_88 = arith.addi %add3A_87, %select_n3A_55 : vector<16xi32>
    %mul3A_89 = arith.constant 100 : i32
    %mul3A_90 = vector.broadcast %mul3A_89 : i32 to vector<16xi32>
    %mul3A_91 = arith.muli %add3A_88, %mul3A_90 : vector<16xi32>
    %add3A_92 = arith.constant 0 : i32
    %add3A_93 = vector.broadcast %add3A_92 : i32 to vector<16xi32>
    %add3A_94 = arith.addi %add3A_93, %select_n3A_55 : vector<16xi32>
    %add3A_95 = arith.constant 4 : i32
    %add3A_96 = vector.broadcast %add3A_95 : i32 to vector<16xi32>
    %add3A_97 = arith.addi %add3A_96, %select_n3A_55 : vector<16xi32>
    %add3A_98 = arith.constant 8 : i32
    %add3A_99 = vector.broadcast %add3A_98 : i32 to vector<16xi32>
    %add3A_100 = arith.addi %add3A_99, %select_n3A_55 : vector<16xi32>
    %add3A_101 = arith.constant 12 : i32
    %add3A_102 = vector.broadcast %add3A_101 : i32 to vector<16xi32>
    %add3A_103 = arith.addi %add3A_102, %select_n3A_55 : vector<16xi32>
    %add3A_104 = arith.constant 0 : i32
    %add3A_105 = vector.broadcast %add3A_104 : i32 to vector<16xi32>
    %add3A_106 = arith.addi %add3A_105, %select_n3A_55 : vector<16xi32>
    %mul3A_107 = arith.constant 50 : i32
    %mul3A_108 = vector.broadcast %mul3A_107 : i32 to vector<16xi32>
    %mul3A_109 = arith.muli %add3A_106, %mul3A_108 : vector<16xi32>
    %add3A_110 = arith.constant 4 : i32
    %add3A_111 = vector.broadcast %add3A_110 : i32 to vector<16xi32>
    %add3A_112 = arith.addi %add3A_111, %select_n3A_55 : vector<16xi32>
    %mul3A_113 = arith.constant 50 : i32
    %mul3A_114 = vector.broadcast %mul3A_113 : i32 to vector<16xi32>
    %mul3A_115 = arith.muli %add3A_112, %mul3A_114 : vector<16xi32>
    %add3A_116 = arith.constant 16 : i32
    %add3A_117 = vector.broadcast %add3A_116 : i32 to vector<16xi32>
    %add3A_118 = arith.addi %add3A_117, %select_n3A_55 : vector<16xi32>
    %add3A_119 = arith.constant 20 : i32
    %add3A_120 = vector.broadcast %add3A_119 : i32 to vector<16xi32>
    %add3A_121 = arith.addi %add3A_120, %select_n3A_55 : vector<16xi32>
    %mul3A_122 = arith.constant 5 : i32
    %mul3A_123 = vector.broadcast %mul3A_122 : i32 to vector<16xi32>
    %mul3A_124 = arith.muli %select_n3A_55, %mul3A_123 : vector<16xi32>
    %add3A_125 = arith.constant 24 : i32
    %add3A_126 = vector.broadcast %add3A_125 : i32 to vector<16xi32>
    %add3A_127 = arith.addi %add3A_126, %select_n3A_55 : vector<16xi32>
    %scan3A = arith.constant 0 : i32
    %scan3A_128 = arith.constant 0 : i32
    %scan3A_129 = arith.constant 16 : i32
    %scan3A_130 = arith.addi %scan3A_128, %scan3A_129 : i32
    %scan3A_131 = arith.constant 1 : i32
    scf.for %scan3A_181 = %scan3A_128 to %scan3A_130 step %scan3A_131  : i32 {
      %mul3A_182 = arith.constant 16 : i32
      %mul3A_183 = arith.muli %scan3A_181, %mul3A_182 : i32
      %get3A = arith.index_cast %mul3A_183 : i32 to index
      %get3A_184 = tpu.vector_load %arg9[%get3A] {strides = array<i32>} : memref<512xi32, #tpu.memory_space<vmem>>, vector<16xi32>,
      %get3A_185 = arith.index_cast %mul3A_183 : i32 to index
      %get3A_186 = tpu.vector_load %arg10[%get3A_185] {strides = array<i32>} : memref<512xi32, #tpu.memory_space<vmem>>, vector<16xi32>,
      %get3A_187 = arith.index_cast %mul3A_183 : i32 to index
      %get3A_188 = tpu.vector_load %arg11[%get3A_187] {strides = array<i32>} : memref<512xi32, #tpu.memory_space<vmem>>, vector<16xi32>,
      %add3A_189 = vector.broadcast %mul3A_183 : i32 to vector<16xi32>
      %add3A_190 = arith.addi %add3A_189, %add3A_58 : vector<16xi32>
      %broadcast_in_dim3A = vector.shape_cast %add3A_58 : vector<16xi32> to vector<16x1xi32>
      %gather3A = vector.shape_cast %broadcast_in_dim3A : vector<16x1xi32> to vector<16xi32>
      %gather3A_191 = tpu.dynamic_gather %get3A_184[%gather3A] in [0] : vector<16xi32>, vector<16xi32> -> vector<16xi32>
      %broadcast_in_dim3A_192 = vector.shape_cast %add3A_58 : vector<16xi32> to vector<16x1xi32>
      %gather3A_193 = vector.shape_cast %broadcast_in_dim3A_192 : vector<16x1xi32> to vector<16xi32>
      %gather3A_194 = tpu.dynamic_gather %get3A_186[%gather3A_193] in [0] : vector<16xi32>, vector<16xi32> -> vector<16xi32>
      %broadcast_in_dim3A_195 = vector.shape_cast %add3A_58 : vector<16xi32> to vector<16x1xi32>
      %gather3A_196 = vector.shape_cast %broadcast_in_dim3A_195 : vector<16x1xi32> to vector<16xi32>
      %gather3A_197 = tpu.dynamic_gather %get3A_188[%gather3A_196] in [0] : vector<16xi32>, vector<16xi32> -> vector<16xi32>
      %add3A_198 = arith.addi %gather3A_191, %mul3A_73 : vector<16xi32>
      %gather3A_199 = tpu.vector_load_idx %arg12[%add3A_198] : memref<1600xf32, #tpu.memory_space<vmem>>[vector<16xi32>], vector<16xf32>,
      %add3A_200 = arith.addi %gather3A_191, %mul3A_79 : vector<16xi32>
      %gather3A_201 = tpu.vector_load_idx %arg12[%add3A_200] : memref<1600xf32, #tpu.memory_space<vmem>>[vector<16xi32>], vector<16xf32>,
      %add3A_202 = arith.addi %gather3A_191, %mul3A_85 : vector<16xi32>
      %gather3A_203 = tpu.vector_load_idx %arg12[%add3A_202] : memref<1600xf32, #tpu.memory_space<vmem>>[vector<16xi32>], vector<16xf32>,
      %add3A_204 = arith.addi %gather3A_191, %mul3A_91 : vector<16xi32>
      %gather3A_205 = tpu.vector_load_idx %arg12[%add3A_204] : memref<1600xf32, #tpu.memory_space<vmem>>[vector<16xi32>], vector<16xf32>,
      %add3A_206 = arith.addi %gather3A_194, %mul3A_109 : vector<16xi32>
      %gather3A_207 = tpu.vector_load_idx %arg13[%add3A_206] : memref<400xf32, #tpu.memory_space<vmem>>[vector<16xi32>], vector<16xf32>,
      %add3A_208 = arith.addi %gather3A_194, %mul3A_115 : vector<16xi32>
      %gather3A_209 = tpu.vector_load_idx %arg13[%add3A_208] : memref<400xf32, #tpu.memory_space<vmem>>[vector<16xi32>], vector<16xf32>,
      %add3A_210 = arith.addi %gather3A_197, %mul3A_124 : vector<16xi32>
      %gather3A_211 = tpu.vector_load_idx %arg14[%add3A_210] : memref<20xf32, #tpu.memory_space<vmem>>[vector<16xi32>], vector<16xf32>,
      %add3A_212 = vector.broadcast %mul3A_183 : i32 to vector<16xi32>
      %add3A_213 = arith.addi %add3A_212, %add3A_61 : vector<16xi32>
      %broadcast_in_dim3A_214 = vector.shape_cast %add3A_61 : vector<16xi32> to vector<16x1xi32>
      %gather3A_215 = vector.shape_cast %broadcast_in_dim3A_214 : vector<16x1xi32> to vector<16xi32>
      %gather3A_216 = tpu.dynamic_gather %get3A_184[%gather3A_215] in [0] : vector<16xi32>, vector<16xi32> -> vector<16xi32>
      %broadcast_in_dim3A_217 = vector.shape_cast %add3A_61 : vector<16xi32> to vector<16x1xi32>
      %gather3A_218 = vector.shape_cast %broadcast_in_dim3A_217 : vector<16x1xi32> to vector<16xi32>
      %gather3A_219 = tpu.dynamic_gather %get3A_186[%gather3A_218] in [0] : vector<16xi32>, vector<16xi32> -> vector<16xi32>
      %broadcast_in_dim3A_220 = vector.shape_cast %add3A_61 : vector<16xi32> to vector<16x1xi32>
      %gather3A_221 = vector.shape_cast %broadcast_in_dim3A_220 : vector<16x1xi32> to vector<16xi32>
      %gather3A_222 = tpu.dynamic_gather %get3A_188[%gather3A_221] in [0] : vector<16xi32>, vector<16xi32> -> vector<16xi32>
      %add3A_223 = arith.addi %gather3A_216, %mul3A_73 : vector<16xi32>
      %gather3A_224 = tpu.vector_load_idx %arg12[%add3A_223] : memref<1600xf32, #tpu.memory_space<vmem>>[vector<16xi32>], vector<16xf32>,
      %add3A_225 = arith.addi %gather3A_216, %mul3A_79 : vector<16xi32>
      %gather3A_226 = tpu.vector_load_idx %arg12[%add3A_225] : memref<1600xf32, #tpu.memory_space<vmem>>[vector<16xi32>], vector<16xf32>,
      %add3A_227 = arith.addi %gather3A_216, %mul3A_85 : vector<16xi32>
      %gather3A_228 = tpu.vector_load_idx %arg12[%add3A_227] : memref<1600xf32, #tpu.memory_space<vmem>>[vector<16xi32>], vector<16xf32>,
      %add3A_229 = arith.addi %gather3A_216, %mul3A_91 : vector<16xi32>
      %gather3A_230 = tpu.vector_load_idx %arg12[%add3A_229] : memref<1600xf32, #tpu.memory_space<vmem>>[vector<16xi32>], vector<16xf32>,
      %add3A_231 = arith.addi %gather3A_219, %mul3A_109 : vector<16xi32>
      %gather3A_232 = tpu.vector_load_idx %arg13[%add3A_231] : memref<400xf32, #tpu.memory_space<vmem>>[vector<16xi32>], vector<16xf32>,
      %add3A_233 = arith.addi %gather3A_219, %mul3A_115 : vector<16xi32>
      %gather3A_234 = tpu.vector_load_idx %arg13[%add3A_233] : memref<400xf32, #tpu.memory_space<vmem>>[vector<16xi32>], vector<16xf32>,
      %add3A_235 = arith.addi %gather3A_222, %mul3A_124 : vector<16xi32>
      %gather3A_236 = tpu.vector_load_idx %arg14[%add3A_235] : memref<20xf32, #tpu.memory_space<vmem>>[vector<16xi32>], vector<16xf32>,
      %add3A_237 = vector.broadcast %mul3A_183 : i32 to vector<16xi32>
      %add3A_238 = arith.addi %add3A_237, %add3A_64 : vector<16xi32>
      %broadcast_in_dim3A_239 = vector.shape_cast %add3A_64 : vector<16xi32> to vector<16x1xi32>
      %gather3A_240 = vector.shape_cast %broadcast_in_dim3A_239 : vector<16x1xi32> to vector<16xi32>
      %gather3A_241 = tpu.dynamic_gather %get3A_184[%gather3A_240] in [0] : vector<16xi32>, vector<16xi32> -> vector<16xi32>
      %broadcast_in_dim3A_242 = vector.shape_cast %add3A_64 : vector<16xi32> to vector<16x1xi32>
      %gather3A_243 = vector.shape_cast %broadcast_in_dim3A_242 : vector<16x1xi32> to vector<16xi32>
      %gather3A_244 = tpu.dynamic_gather %get3A_186[%gather3A_243] in [0] : vector<16xi32>, vector<16xi32> -> vector<16xi32>
      %broadcast_in_dim3A_245 = vector.shape_cast %add3A_64 : vector<16xi32> to vector<16x1xi32>
      %gather3A_246 = vector.shape_cast %broadcast_in_dim3A_245 : vector<16x1xi32> to vector<16xi32>
      %gather3A_247 = tpu.dynamic_gather %get3A_188[%gather3A_246] in [0] : vector<16xi32>, vector<16xi32> -> vector<16xi32>
      %add3A_248 = arith.addi %gather3A_241, %mul3A_73 : vector<16xi32>
      %gather3A_249 = tpu.vector_load_idx %arg12[%add3A_248] : memref<1600xf32, #tpu.memory_space<vmem>>[vector<16xi32>], vector<16xf32>,
      %add3A_250 = arith.addi %gather3A_241, %mul3A_79 : vector<16xi32>
      %gather3A_251 = tpu.vector_load_idx %arg12[%add3A_250] : memref<1600xf32, #tpu.memory_space<vmem>>[vector<16xi32>], vector<16xf32>,
      %add3A_252 = arith.addi %gather3A_241, %mul3A_85 : vector<16xi32>
      %gather3A_253 = tpu.vector_load_idx %arg12[%add3A_252] : memref<1600xf32, #tpu.memory_space<vmem>>[vector<16xi32>], vector<16xf32>,
      %add3A_254 = arith.addi %gather3A_241, %mul3A_91 : vector<16xi32>
      %gather3A_255 = tpu.vector_load_idx %arg12[%add3A_254] : memref<1600xf32, #tpu.memory_space<vmem>>[vector<16xi32>], vector<16xf32>,
      %add3A_256 = arith.addi %gather3A_244, %mul3A_109 : vector<16xi32>
      %gather3A_257 = tpu.vector_load_idx %arg13[%add3A_256] : memref<400xf32, #tpu.memory_space<vmem>>[vector<16xi32>], vector<16xf32>,
      %add3A_258 = arith.addi %gather3A_244, %mul3A_115 : vector<16xi32>
      %gather3A_259 = tpu.vector_load_idx %arg13[%add3A_258] : memref<400xf32, #tpu.memory_space<vmem>>[vector<16xi32>], vector<16xf32>,
      %add3A_260 = arith.addi %gather3A_247, %mul3A_124 : vector<16xi32>
      %gather3A_261 = tpu.vector_load_idx %arg14[%add3A_260] : memref<20xf32, #tpu.memory_space<vmem>>[vector<16xi32>], vector<16xf32>,
      %add3A_262 = vector.broadcast %mul3A_183 : i32 to vector<16xi32>
      %add3A_263 = arith.addi %add3A_262, %add3A_67 : vector<16xi32>
      %broadcast_in_dim3A_264 = vector.shape_cast %add3A_67 : vector<16xi32> to vector<16x1xi32>
      %gather3A_265 = vector.shape_cast %broadcast_in_dim3A_264 : vector<16x1xi32> to vector<16xi32>
      %gather3A_266 = tpu.dynamic_gather %get3A_184[%gather3A_265] in [0] : vector<16xi32>, vector<16xi32> -> vector<16xi32>
      %broadcast_in_dim3A_267 = vector.shape_cast %add3A_67 : vector<16xi32> to vector<16x1xi32>
      %gather3A_268 = vector.shape_cast %broadcast_in_dim3A_267 : vector<16x1xi32> to vector<16xi32>
      %gather3A_269 = tpu.dynamic_gather %get3A_186[%gather3A_268] in [0] : vector<16xi32>, vector<16xi32> -> vector<16xi32>
      %broadcast_in_dim3A_270 = vector.shape_cast %add3A_67 : vector<16xi32> to vector<16x1xi32>
      %gather3A_271 = vector.shape_cast %broadcast_in_dim3A_270 : vector<16x1xi32> to vector<16xi32>
      %gather3A_272 = tpu.dynamic_gather %get3A_188[%gather3A_271] in [0] : vector<16xi32>, vector<16xi32> -> vector<16xi32>
      %add3A_273 = arith.addi %gather3A_266, %mul3A_73 : vector<16xi32>
      %gather3A_274 = tpu.vector_load_idx %arg12[%add3A_273] : memref<1600xf32, #tpu.memory_space<vmem>>[vector<16xi32>], vector<16xf32>,
      %add3A_275 = arith.addi %gather3A_266, %mul3A_79 : vector<16xi32>
      %gather3A_276 = tpu.vector_load_idx %arg12[%add3A_275] : memref<1600xf32, #tpu.memory_space<vmem>>[vector<16xi32>], vector<16xf32>,
      %add3A_277 = arith.addi %gather3A_266, %mul3A_85 : vector<16xi32>
      %gather3A_278 = tpu.vector_load_idx %arg12[%add3A_277] : memref<1600xf32, #tpu.memory_space<vmem>>[vector<16xi32>], vector<16xf32>,
      %add3A_279 = arith.addi %gather3A_266, %mul3A_91 : vector<16xi32>
      %gather3A_280 = tpu.vector_load_idx %arg12[%add3A_279] : memref<1600xf32, #tpu.memory_space<vmem>>[vector<16xi32>], vector<16xf32>,
      %add3A_281 = arith.addi %gather3A_269, %mul3A_109 : vector<16xi32>
      %gather3A_282 = tpu.vector_load_idx %arg13[%add3A_281] : memref<400xf32, #tpu.memory_space<vmem>>[vector<16xi32>], vector<16xf32>,
      %add3A_283 = arith.addi %gather3A_269, %mul3A_115 : vector<16xi32>
      %gather3A_284 = tpu.vector_load_idx %arg13[%add3A_283] : memref<400xf32, #tpu.memory_space<vmem>>[vector<16xi32>], vector<16xf32>,
      %add3A_285 = arith.addi %gather3A_272, %mul3A_124 : vector<16xi32>
      %gather3A_286 = tpu.vector_load_idx %arg14[%add3A_285] : memref<20xf32, #tpu.memory_space<vmem>>[vector<16xi32>], vector<16xf32>,
      tpu.vector_store_idx %arg15[%add3A_190, %add3A_94], %gather3A_199 : memref<512x28xf32, #tpu.memory_space<vmem>>[vector<16xi32>, vector<16xi32>], vector<16xf32>,
      tpu.vector_store_idx %arg15[%add3A_190, %add3A_97], %gather3A_201 : memref<512x28xf32, #tpu.memory_space<vmem>>[vector<16xi32>, vector<16xi32>], vector<16xf32>,
      tpu.vector_store_idx %arg15[%add3A_190, %add3A_100], %gather3A_203 : memref<512x28xf32, #tpu.memory_space<vmem>>[vector<16xi32>, vector<16xi32>], vector<16xf32>,
      tpu.vector_store_idx %arg15[%add3A_190, %add3A_103], %gather3A_205 : memref<512x28xf32, #tpu.memory_space<vmem>>[vector<16xi32>, vector<16xi32>], vector<16xf32>,
      tpu.vector_store_idx %arg15[%add3A_190, %add3A_118], %gather3A_207 : memref<512x28xf32, #tpu.memory_space<vmem>>[vector<16xi32>, vector<16xi32>], vector<16xf32>,
      tpu.vector_store_idx %arg15[%add3A_190, %add3A_121], %gather3A_209 : memref<512x28xf32, #tpu.memory_space<vmem>>[vector<16xi32>, vector<16xi32>], vector<16xf32>,
      tpu.vector_store_idx %arg15[%add3A_190, %add3A_127], %gather3A_211 : memref<512x28xf32, #tpu.memory_space<vmem>>[vector<16xi32>, vector<16xi32>], vector<16xf32>,
      tpu.vector_store_idx %arg15[%add3A_213, %add3A_94], %gather3A_224 : memref<512x28xf32, #tpu.memory_space<vmem>>[vector<16xi32>, vector<16xi32>], vector<16xf32>,
      tpu.vector_store_idx %arg15[%add3A_213, %add3A_97], %gather3A_226 : memref<512x28xf32, #tpu.memory_space<vmem>>[vector<16xi32>, vector<16xi32>], vector<16xf32>,
      tpu.vector_store_idx %arg15[%add3A_213, %add3A_100], %gather3A_228 : memref<512x28xf32, #tpu.memory_space<vmem>>[vector<16xi32>, vector<16xi32>], vector<16xf32>,
      tpu.vector_store_idx %arg15[%add3A_213, %add3A_103], %gather3A_230 : memref<512x28xf32, #tpu.memory_space<vmem>>[vector<16xi32>, vector<16xi32>], vector<16xf32>,
      tpu.vector_store_idx %arg15[%add3A_213, %add3A_118], %gather3A_232 : memref<512x28xf32, #tpu.memory_space<vmem>>[vector<16xi32>, vector<16xi32>], vector<16xf32>,
      tpu.vector_store_idx %arg15[%add3A_213, %add3A_121], %gather3A_234 : memref<512x28xf32, #tpu.memory_space<vmem>>[vector<16xi32>, vector<16xi32>], vector<16xf32>,
      tpu.vector_store_idx %arg15[%add3A_213, %add3A_127], %gather3A_236 : memref<512x28xf32, #tpu.memory_space<vmem>>[vector<16xi32>, vector<16xi32>], vector<16xf32>,
      tpu.vector_store_idx %arg15[%add3A_238, %add3A_94], %gather3A_249 : memref<512x28xf32, #tpu.memory_space<vmem>>[vector<16xi32>, vector<16xi32>], vector<16xf32>,
      tpu.vector_store_idx %arg15[%add3A_238, %add3A_97], %gather3A_251 : memref<512x28xf32, #tpu.memory_space<vmem>>[vector<16xi32>, vector<16xi32>], vector<16xf32>,
      tpu.vector_store_idx %arg15[%add3A_238, %add3A_100], %gather3A_253 : memref<512x28xf32, #tpu.memory_space<vmem>>[vector<16xi32>, vector<16xi32>], vector<16xf32>,
      tpu.vector_store_idx %arg15[%add3A_238, %add3A_103], %gather3A_255 : memref<512x28xf32, #tpu.memory_space<vmem>>[vector<16xi32>, vector<16xi32>], vector<16xf32>,
      tpu.vector_store_idx %arg15[%add3A_238, %add3A_118], %gather3A_257 : memref<512x28xf32, #tpu.memory_space<vmem>>[vector<16xi32>, vector<16xi32>], vector<16xf32>,
      tpu.vector_store_idx %arg15[%add3A_238, %add3A_121], %gather3A_259 : memref<512x28xf32, #tpu.memory_space<vmem>>[vector<16xi32>, vector<16xi32>], vector<16xf32>,
      tpu.vector_store_idx %arg15[%add3A_238, %add3A_127], %gather3A_261 : memref<512x28xf32, #tpu.memory_space<vmem>>[vector<16xi32>, vector<16xi32>], vector<16xf32>,
      tpu.vector_store_idx %arg15[%add3A_263, %add3A_94], %gather3A_274 : memref<512x28xf32, #tpu.memory_space<vmem>>[vector<16xi32>, vector<16xi32>], vector<16xf32>,
      tpu.vector_store_idx %arg15[%add3A_263, %add3A_97], %gather3A_276 : memref<512x28xf32, #tpu.memory_space<vmem>>[vector<16xi32>, vector<16xi32>], vector<16xf32>,
      tpu.vector_store_idx %arg15[%add3A_263, %add3A_100], %gather3A_278 : memref<512x28xf32, #tpu.memory_space<vmem>>[vector<16xi32>, vector<16xi32>], vector<16xf32>,
      tpu.vector_store_idx %arg15[%add3A_263, %add3A_103], %gather3A_280 : memref<512x28xf32, #tpu.memory_space<vmem>>[vector<16xi32>, vector<16xi32>], vector<16xf32>,
      tpu.vector_store_idx %arg15[%add3A_263, %add3A_118], %gather3A_282 : memref<512x28xf32, #tpu.memory_space<vmem>>[vector<16xi32>, vector<16xi32>], vector<16xf32>,
      tpu.vector_store_idx %arg15[%add3A_263, %add3A_121], %gather3A_284 : memref<512x28xf32, #tpu.memory_space<vmem>>[vector<16xi32>, vector<16xi32>], vector<16xf32>,
      tpu.vector_store_idx %arg15[%add3A_263, %add3A_127], %gather3A_286 : memref<512x28xf32, #tpu.memory_space<vmem>>[vector<16xi32>, vector<16xi32>], vector<16xf32>,
    }
    %scan3A_132 = arith.constant 16 : i32
    %dma_start3A_133 = arith.constant 0 : i32
    %dma_start3A_134 = arith.constant 0 : i32
    %dma_start3A_135 = tpu.memref_slice %arg15[%dma_start3A_133, %dma_start3A_134] : memref<512x28xf32, #tpu.memory_space<vmem>> -> memref<256x28xf32, #tpu.memory_space<vmem>>
    %dma_start3A_136 = arith.constant 0 : i32
    %dma_start3A_137 = tpu.memref_slice %arg8[%mul3A_2, %dma_start3A_136] : memref<16384x28xf32, #tpu.memory_space<hbm>> -> memref<256x28xf32, #tpu.memory_space<hbm>>
    %dma_start3A_138 = arith.constant 0 : i32
    %dma_start3A_139 = tpu.memref_slice %arg8[%mul3A_2, %dma_start3A_138] : memref<16384x28xf32, #tpu.memory_space<hbm>> -> memref<256x28xf32, #tpu.memory_space<hbm>>
    %dma_start3A_140 = arith.constant 0 : i32
    %dma_start3A_141 = arith.constant 0 : i32
    %dma_start3A_142 = tpu.memref_slice %arg15[%dma_start3A_140, %dma_start3A_141] : memref<512x28xf32, #tpu.memory_space<vmem>> -> memref<256x28xf32, #tpu.memory_space<vmem>>
    tpu.enqueue_dma source(%dma_start3A_142 : memref<256x28xf32, #tpu.memory_space<vmem>>) target(%dma_start3A_139 : memref<256x28xf32, #tpu.memory_space<hbm>>) target_semaphore(%arg16 : memref<!tpu.dma_semaphore, #tpu.memory_space<semaphore_mem>>)
    %scan3A_143 = arith.constant 0 : i32
    %scan3A_144 = arith.constant 16 : i32
    %scan3A_145 = arith.constant 16 : i32
    %scan3A_146 = arith.addi %scan3A_144, %scan3A_145 : i32
    %scan3A_147 = arith.constant 1 : i32
    scf.for %scan3A_181 = %scan3A_144 to %scan3A_146 step %scan3A_147  : i32 {
      %mul3A_182 = arith.constant 16 : i32
      %mul3A_183 = arith.muli %scan3A_181, %mul3A_182 : i32
      %get3A = arith.index_cast %mul3A_183 : i32 to index
      %get3A_184 = tpu.vector_load %arg9[%get3A] {strides = array<i32>} : memref<512xi32, #tpu.memory_space<vmem>>, vector<16xi32>,
      %get3A_185 = arith.index_cast %mul3A_183 : i32 to index
      %get3A_186 = tpu.vector_load %arg10[%get3A_185] {strides = array<i32>} : memref<512xi32, #tpu.memory_space<vmem>>, vector<16xi32>,
      %get3A_187 = arith.index_cast %mul3A_183 : i32 to index
      %get3A_188 = tpu.vector_load %arg11[%get3A_187] {strides = array<i32>} : memref<512xi32, #tpu.memory_space<vmem>>, vector<16xi32>,
      %add3A_189 = vector.broadcast %mul3A_183 : i32 to vector<16xi32>
      %add3A_190 = arith.addi %add3A_189, %add3A_58 : vector<16xi32>
      %broadcast_in_dim3A = vector.shape_cast %add3A_58 : vector<16xi32> to vector<16x1xi32>
      %gather3A = vector.shape_cast %broadcast_in_dim3A : vector<16x1xi32> to vector<16xi32>
      %gather3A_191 = tpu.dynamic_gather %get3A_184[%gather3A] in [0] : vector<16xi32>, vector<16xi32> -> vector<16xi32>
      %broadcast_in_dim3A_192 = vector.shape_cast %add3A_58 : vector<16xi32> to vector<16x1xi32>
      %gather3A_193 = vector.shape_cast %broadcast_in_dim3A_192 : vector<16x1xi32> to vector<16xi32>
      %gather3A_194 = tpu.dynamic_gather %get3A_186[%gather3A_193] in [0] : vector<16xi32>, vector<16xi32> -> vector<16xi32>
      %broadcast_in_dim3A_195 = vector.shape_cast %add3A_58 : vector<16xi32> to vector<16x1xi32>
      %gather3A_196 = vector.shape_cast %broadcast_in_dim3A_195 : vector<16x1xi32> to vector<16xi32>
      %gather3A_197 = tpu.dynamic_gather %get3A_188[%gather3A_196] in [0] : vector<16xi32>, vector<16xi32> -> vector<16xi32>
      %add3A_198 = arith.addi %gather3A_191, %mul3A_73 : vector<16xi32>
      %gather3A_199 = tpu.vector_load_idx %arg12[%add3A_198] : memref<1600xf32, #tpu.memory_space<vmem>>[vector<16xi32>], vector<16xf32>,
      %add3A_200 = arith.addi %gather3A_191, %mul3A_79 : vector<16xi32>
      %gather3A_201 = tpu.vector_load_idx %arg12[%add3A_200] : memref<1600xf32, #tpu.memory_space<vmem>>[vector<16xi32>], vector<16xf32>,
      %add3A_202 = arith.addi %gather3A_191, %mul3A_85 : vector<16xi32>
      %gather3A_203 = tpu.vector_load_idx %arg12[%add3A_202] : memref<1600xf32, #tpu.memory_space<vmem>>[vector<16xi32>], vector<16xf32>,
      %add3A_204 = arith.addi %gather3A_191, %mul3A_91 : vector<16xi32>
      %gather3A_205 = tpu.vector_load_idx %arg12[%add3A_204] : memref<1600xf32, #tpu.memory_space<vmem>>[vector<16xi32>], vector<16xf32>,
      %add3A_206 = arith.addi %gather3A_194, %mul3A_109 : vector<16xi32>
      %gather3A_207 = tpu.vector_load_idx %arg13[%add3A_206] : memref<400xf32, #tpu.memory_space<vmem>>[vector<16xi32>], vector<16xf32>,
      %add3A_208 = arith.addi %gather3A_194, %mul3A_115 : vector<16xi32>
      %gather3A_209 = tpu.vector_load_idx %arg13[%add3A_208] : memref<400xf32, #tpu.memory_space<vmem>>[vector<16xi32>], vector<16xf32>,
      %add3A_210 = arith.addi %gather3A_197, %mul3A_124 : vector<16xi32>
      %gather3A_211 = tpu.vector_load_idx %arg14[%add3A_210] : memref<20xf32, #tpu.memory_space<vmem>>[vector<16xi32>], vector<16xf32>,
      %add3A_212 = vector.broadcast %mul3A_183 : i32 to vector<16xi32>
      %add3A_213 = arith.addi %add3A_212, %add3A_61 : vector<16xi32>
      %broadcast_in_dim3A_214 = vector.shape_cast %add3A_61 : vector<16xi32> to vector<16x1xi32>
      %gather3A_215 = vector.shape_cast %broadcast_in_dim3A_214 : vector<16x1xi32> to vector<16xi32>
      %gather3A_216 = tpu.dynamic_gather %get3A_184[%gather3A_215] in [0] : vector<16xi32>, vector<16xi32> -> vector<16xi32>
      %broadcast_in_dim3A_217 = vector.shape_cast %add3A_61 : vector<16xi32> to vector<16x1xi32>
      %gather3A_218 = vector.shape_cast %broadcast_in_dim3A_217 : vector<16x1xi32> to vector<16xi32>
      %gather3A_219 = tpu.dynamic_gather %get3A_186[%gather3A_218] in [0] : vector<16xi32>, vector<16xi32> -> vector<16xi32>
      %broadcast_in_dim3A_220 = vector.shape_cast %add3A_61 : vector<16xi32> to vector<16x1xi32>
      %gather3A_221 = vector.shape_cast %broadcast_in_dim3A_220 : vector<16x1xi32> to vector<16xi32>
      %gather3A_222 = tpu.dynamic_gather %get3A_188[%gather3A_221] in [0] : vector<16xi32>, vector<16xi32> -> vector<16xi32>
      %add3A_223 = arith.addi %gather3A_216, %mul3A_73 : vector<16xi32>
      %gather3A_224 = tpu.vector_load_idx %arg12[%add3A_223] : memref<1600xf32, #tpu.memory_space<vmem>>[vector<16xi32>], vector<16xf32>,
      %add3A_225 = arith.addi %gather3A_216, %mul3A_79 : vector<16xi32>
      %gather3A_226 = tpu.vector_load_idx %arg12[%add3A_225] : memref<1600xf32, #tpu.memory_space<vmem>>[vector<16xi32>], vector<16xf32>,
      %add3A_227 = arith.addi %gather3A_216, %mul3A_85 : vector<16xi32>
      %gather3A_228 = tpu.vector_load_idx %arg12[%add3A_227] : memref<1600xf32, #tpu.memory_space<vmem>>[vector<16xi32>], vector<16xf32>,
      %add3A_229 = arith.addi %gather3A_216, %mul3A_91 : vector<16xi32>
      %gather3A_230 = tpu.vector_load_idx %arg12[%add3A_229] : memref<1600xf32, #tpu.memory_space<vmem>>[vector<16xi32>], vector<16xf32>,
      %add3A_231 = arith.addi %gather3A_219, %mul3A_109 : vector<16xi32>
      %gather3A_232 = tpu.vector_load_idx %arg13[%add3A_231] : memref<400xf32, #tpu.memory_space<vmem>>[vector<16xi32>], vector<16xf32>,
      %add3A_233 = arith.addi %gather3A_219, %mul3A_115 : vector<16xi32>
      %gather3A_234 = tpu.vector_load_idx %arg13[%add3A_233] : memref<400xf32, #tpu.memory_space<vmem>>[vector<16xi32>], vector<16xf32>,
      %add3A_235 = arith.addi %gather3A_222, %mul3A_124 : vector<16xi32>
      %gather3A_236 = tpu.vector_load_idx %arg14[%add3A_235] : memref<20xf32, #tpu.memory_space<vmem>>[vector<16xi32>], vector<16xf32>,
      %add3A_237 = vector.broadcast %mul3A_183 : i32 to vector<16xi32>
      %add3A_238 = arith.addi %add3A_237, %add3A_64 : vector<16xi32>
      %broadcast_in_dim3A_239 = vector.shape_cast %add3A_64 : vector<16xi32> to vector<16x1xi32>
      %gather3A_240 = vector.shape_cast %broadcast_in_dim3A_239 : vector<16x1xi32> to vector<16xi32>
      %gather3A_241 = tpu.dynamic_gather %get3A_184[%gather3A_240] in [0] : vector<16xi32>, vector<16xi32> -> vector<16xi32>
      %broadcast_in_dim3A_242 = vector.shape_cast %add3A_64 : vector<16xi32> to vector<16x1xi32>
      %gather3A_243 = vector.shape_cast %broadcast_in_dim3A_242 : vector<16x1xi32> to vector<16xi32>
      %gather3A_244 = tpu.dynamic_gather %get3A_186[%gather3A_243] in [0] : vector<16xi32>, vector<16xi32> -> vector<16xi32>
      %broadcast_in_dim3A_245 = vector.shape_cast %add3A_64 : vector<16xi32> to vector<16x1xi32>
      %gather3A_246 = vector.shape_cast %broadcast_in_dim3A_245 : vector<16x1xi32> to vector<16xi32>
      %gather3A_247 = tpu.dynamic_gather %get3A_188[%gather3A_246] in [0] : vector<16xi32>, vector<16xi32> -> vector<16xi32>
      %add3A_248 = arith.addi %gather3A_241, %mul3A_73 : vector<16xi32>
      %gather3A_249 = tpu.vector_load_idx %arg12[%add3A_248] : memref<1600xf32, #tpu.memory_space<vmem>>[vector<16xi32>], vector<16xf32>,
      %add3A_250 = arith.addi %gather3A_241, %mul3A_79 : vector<16xi32>
      %gather3A_251 = tpu.vector_load_idx %arg12[%add3A_250] : memref<1600xf32, #tpu.memory_space<vmem>>[vector<16xi32>], vector<16xf32>,
      %add3A_252 = arith.addi %gather3A_241, %mul3A_85 : vector<16xi32>
      %gather3A_253 = tpu.vector_load_idx %arg12[%add3A_252] : memref<1600xf32, #tpu.memory_space<vmem>>[vector<16xi32>], vector<16xf32>,
      %add3A_254 = arith.addi %gather3A_241, %mul3A_91 : vector<16xi32>
      %gather3A_255 = tpu.vector_load_idx %arg12[%add3A_254] : memref<1600xf32, #tpu.memory_space<vmem>>[vector<16xi32>], vector<16xf32>,
      %add3A_256 = arith.addi %gather3A_244, %mul3A_109 : vector<16xi32>
      %gather3A_257 = tpu.vector_load_idx %arg13[%add3A_256] : memref<400xf32, #tpu.memory_space<vmem>>[vector<16xi32>], vector<16xf32>,
      %add3A_258 = arith.addi %gather3A_244, %mul3A_115 : vector<16xi32>
      %gather3A_259 = tpu.vector_load_idx %arg13[%add3A_258] : memref<400xf32, #tpu.memory_space<vmem>>[vector<16xi32>], vector<16xf32>,
      %add3A_260 = arith.addi %gather3A_247, %mul3A_124 : vector<16xi32>
      %gather3A_261 = tpu.vector_load_idx %arg14[%add3A_260] : memref<20xf32, #tpu.memory_space<vmem>>[vector<16xi32>], vector<16xf32>,
      %add3A_262 = vector.broadcast %mul3A_183 : i32 to vector<16xi32>
      %add3A_263 = arith.addi %add3A_262, %add3A_67 : vector<16xi32>
      %broadcast_in_dim3A_264 = vector.shape_cast %add3A_67 : vector<16xi32> to vector<16x1xi32>
      %gather3A_265 = vector.shape_cast %broadcast_in_dim3A_264 : vector<16x1xi32> to vector<16xi32>
      %gather3A_266 = tpu.dynamic_gather %get3A_184[%gather3A_265] in [0] : vector<16xi32>, vector<16xi32> -> vector<16xi32>
      %broadcast_in_dim3A_267 = vector.shape_cast %add3A_67 : vector<16xi32> to vector<16x1xi32>
      %gather3A_268 = vector.shape_cast %broadcast_in_dim3A_267 : vector<16x1xi32> to vector<16xi32>
      %gather3A_269 = tpu.dynamic_gather %get3A_186[%gather3A_268] in [0] : vector<16xi32>, vector<16xi32> -> vector<16xi32>
      %broadcast_in_dim3A_270 = vector.shape_cast %add3A_67 : vector<16xi32> to vector<16x1xi32>
      %gather3A_271 = vector.shape_cast %broadcast_in_dim3A_270 : vector<16x1xi32> to vector<16xi32>
      %gather3A_272 = tpu.dynamic_gather %get3A_188[%gather3A_271] in [0] : vector<16xi32>, vector<16xi32> -> vector<16xi32>
      %add3A_273 = arith.addi %gather3A_266, %mul3A_73 : vector<16xi32>
      %gather3A_274 = tpu.vector_load_idx %arg12[%add3A_273] : memref<1600xf32, #tpu.memory_space<vmem>>[vector<16xi32>], vector<16xf32>,
      %add3A_275 = arith.addi %gather3A_266, %mul3A_79 : vector<16xi32>
      %gather3A_276 = tpu.vector_load_idx %arg12[%add3A_275] : memref<1600xf32, #tpu.memory_space<vmem>>[vector<16xi32>], vector<16xf32>,
      %add3A_277 = arith.addi %gather3A_266, %mul3A_85 : vector<16xi32>
      %gather3A_278 = tpu.vector_load_idx %arg12[%add3A_277] : memref<1600xf32, #tpu.memory_space<vmem>>[vector<16xi32>], vector<16xf32>,
      %add3A_279 = arith.addi %gather3A_266, %mul3A_91 : vector<16xi32>
      %gather3A_280 = tpu.vector_load_idx %arg12[%add3A_279] : memref<1600xf32, #tpu.memory_space<vmem>>[vector<16xi32>], vector<16xf32>,
      %add3A_281 = arith.addi %gather3A_269, %mul3A_109 : vector<16xi32>
      %gather3A_282 = tpu.vector_load_idx %arg13[%add3A_281] : memref<400xf32, #tpu.memory_space<vmem>>[vector<16xi32>], vector<16xf32>,
      %add3A_283 = arith.addi %gather3A_269, %mul3A_115 : vector<16xi32>
      %gather3A_284 = tpu.vector_load_idx %arg13[%add3A_283] : memref<400xf32, #tpu.memory_space<vmem>>[vector<16xi32>], vector<16xf32>,
      %add3A_285 = arith.addi %gather3A_272, %mul3A_124 : vector<16xi32>
      %gather3A_286 = tpu.vector_load_idx %arg14[%add3A_285] : memref<20xf32, #tpu.memory_space<vmem>>[vector<16xi32>], vector<16xf32>,
      tpu.vector_store_idx %arg15[%add3A_190, %add3A_94], %gather3A_199 : memref<512x28xf32, #tpu.memory_space<vmem>>[vector<16xi32>, vector<16xi32>], vector<16xf32>,
      tpu.vector_store_idx %arg15[%add3A_190, %add3A_97], %gather3A_201 : memref<512x28xf32, #tpu.memory_space<vmem>>[vector<16xi32>, vector<16xi32>], vector<16xf32>,
      tpu.vector_store_idx %arg15[%add3A_190, %add3A_100], %gather3A_203 : memref<512x28xf32, #tpu.memory_space<vmem>>[vector<16xi32>, vector<16xi32>], vector<16xf32>,
      tpu.vector_store_idx %arg15[%add3A_190, %add3A_103], %gather3A_205 : memref<512x28xf32, #tpu.memory_space<vmem>>[vector<16xi32>, vector<16xi32>], vector<16xf32>,
      tpu.vector_store_idx %arg15[%add3A_190, %add3A_118], %gather3A_207 : memref<512x28xf32, #tpu.memory_space<vmem>>[vector<16xi32>, vector<16xi32>], vector<16xf32>,
      tpu.vector_store_idx %arg15[%add3A_190, %add3A_121], %gather3A_209 : memref<512x28xf32, #tpu.memory_space<vmem>>[vector<16xi32>, vector<16xi32>], vector<16xf32>,
      tpu.vector_store_idx %arg15[%add3A_190, %add3A_127], %gather3A_211 : memref<512x28xf32, #tpu.memory_space<vmem>>[vector<16xi32>, vector<16xi32>], vector<16xf32>,
      tpu.vector_store_idx %arg15[%add3A_213, %add3A_94], %gather3A_224 : memref<512x28xf32, #tpu.memory_space<vmem>>[vector<16xi32>, vector<16xi32>], vector<16xf32>,
      tpu.vector_store_idx %arg15[%add3A_213, %add3A_97], %gather3A_226 : memref<512x28xf32, #tpu.memory_space<vmem>>[vector<16xi32>, vector<16xi32>], vector<16xf32>,
      tpu.vector_store_idx %arg15[%add3A_213, %add3A_100], %gather3A_228 : memref<512x28xf32, #tpu.memory_space<vmem>>[vector<16xi32>, vector<16xi32>], vector<16xf32>,
      tpu.vector_store_idx %arg15[%add3A_213, %add3A_103], %gather3A_230 : memref<512x28xf32, #tpu.memory_space<vmem>>[vector<16xi32>, vector<16xi32>], vector<16xf32>,
      tpu.vector_store_idx %arg15[%add3A_213, %add3A_118], %gather3A_232 : memref<512x28xf32, #tpu.memory_space<vmem>>[vector<16xi32>, vector<16xi32>], vector<16xf32>,
      tpu.vector_store_idx %arg15[%add3A_213, %add3A_121], %gather3A_234 : memref<512x28xf32, #tpu.memory_space<vmem>>[vector<16xi32>, vector<16xi32>], vector<16xf32>,
      tpu.vector_store_idx %arg15[%add3A_213, %add3A_127], %gather3A_236 : memref<512x28xf32, #tpu.memory_space<vmem>>[vector<16xi32>, vector<16xi32>], vector<16xf32>,
      tpu.vector_store_idx %arg15[%add3A_238, %add3A_94], %gather3A_249 : memref<512x28xf32, #tpu.memory_space<vmem>>[vector<16xi32>, vector<16xi32>], vector<16xf32>,
      tpu.vector_store_idx %arg15[%add3A_238, %add3A_97], %gather3A_251 : memref<512x28xf32, #tpu.memory_space<vmem>>[vector<16xi32>, vector<16xi32>], vector<16xf32>,
      tpu.vector_store_idx %arg15[%add3A_238, %add3A_100], %gather3A_253 : memref<512x28xf32, #tpu.memory_space<vmem>>[vector<16xi32>, vector<16xi32>], vector<16xf32>,
      tpu.vector_store_idx %arg15[%add3A_238, %add3A_103], %gather3A_255 : memref<512x28xf32, #tpu.memory_space<vmem>>[vector<16xi32>, vector<16xi32>], vector<16xf32>,
      tpu.vector_store_idx %arg15[%add3A_238, %add3A_118], %gather3A_257 : memref<512x28xf32, #tpu.memory_space<vmem>>[vector<16xi32>, vector<16xi32>], vector<16xf32>,
      tpu.vector_store_idx %arg15[%add3A_238, %add3A_121], %gather3A_259 : memref<512x28xf32, #tpu.memory_space<vmem>>[vector<16xi32>, vector<16xi32>], vector<16xf32>,
      tpu.vector_store_idx %arg15[%add3A_238, %add3A_127], %gather3A_261 : memref<512x28xf32, #tpu.memory_space<vmem>>[vector<16xi32>, vector<16xi32>], vector<16xf32>,
      tpu.vector_store_idx %arg15[%add3A_263, %add3A_94], %gather3A_274 : memref<512x28xf32, #tpu.memory_space<vmem>>[vector<16xi32>, vector<16xi32>], vector<16xf32>,
      tpu.vector_store_idx %arg15[%add3A_263, %add3A_97], %gather3A_276 : memref<512x28xf32, #tpu.memory_space<vmem>>[vector<16xi32>, vector<16xi32>], vector<16xf32>,
      tpu.vector_store_idx %arg15[%add3A_263, %add3A_100], %gather3A_278 : memref<512x28xf32, #tpu.memory_space<vmem>>[vector<16xi32>, vector<16xi32>], vector<16xf32>,
      tpu.vector_store_idx %arg15[%add3A_263, %add3A_103], %gather3A_280 : memref<512x28xf32, #tpu.memory_space<vmem>>[vector<16xi32>, vector<16xi32>], vector<16xf32>,
      tpu.vector_store_idx %arg15[%add3A_263, %add3A_118], %gather3A_282 : memref<512x28xf32, #tpu.memory_space<vmem>>[vector<16xi32>, vector<16xi32>], vector<16xf32>,
      tpu.vector_store_idx %arg15[%add3A_263, %add3A_121], %gather3A_284 : memref<512x28xf32, #tpu.memory_space<vmem>>[vector<16xi32>, vector<16xi32>], vector<16xf32>,
      tpu.vector_store_idx %arg15[%add3A_263, %add3A_127], %gather3A_286 : memref<512x28xf32, #tpu.memory_space<vmem>>[vector<16xi32>, vector<16xi32>], vector<16xf32>,
    }
    %scan3A_148 = arith.constant 16 : i32
    %add3A_149 = arith.constant 256 : i32
    %add3A_150 = arith.addi %mul3A_2, %add3A_149 : i32
    %dma_start3A_151 = arith.constant 256 : i32
    %dma_start3A_152 = arith.constant 0 : i32
    %dma_start3A_153 = tpu.memref_slice %arg15[%dma_start3A_151, %dma_start3A_152] : memref<512x28xf32, #tpu.memory_space<vmem>> -> memref<256x28xf32, #tpu.memory_space<vmem>>
    %dma_start3A_154 = arith.constant 0 : i32
    %dma_start3A_155 = tpu.memref_slice %arg8[%add3A_150, %dma_start3A_154] : memref<16384x28xf32, #tpu.memory_space<hbm>> -> memref<256x28xf32, #tpu.memory_space<hbm>>
    %dma_start3A_156 = arith.constant 0 : i32
    %dma_start3A_157 = tpu.memref_slice %arg8[%add3A_150, %dma_start3A_156] : memref<16384x28xf32, #tpu.memory_space<hbm>> -> memref<256x28xf32, #tpu.memory_space<hbm>>
    %dma_start3A_158 = arith.constant 256 : i32
    %dma_start3A_159 = arith.constant 0 : i32
    %dma_start3A_160 = tpu.memref_slice %arg15[%dma_start3A_158, %dma_start3A_159] : memref<512x28xf32, #tpu.memory_space<vmem>> -> memref<256x28xf32, #tpu.memory_space<vmem>>
    tpu.enqueue_dma source(%dma_start3A_160 : memref<256x28xf32, #tpu.memory_space<vmem>>) target(%dma_start3A_157 : memref<256x28xf32, #tpu.memory_space<hbm>>) target_semaphore(%arg17 : memref<!tpu.dma_semaphore, #tpu.memory_space<semaphore_mem>>)
    %dma_wait3A_161 = arith.constant 0 : i32
    %dma_wait3A_162 = arith.constant 0 : i32
    %dma_wait3A_163 = tpu.memref_slice %arg15[%dma_wait3A_161, %dma_wait3A_162] : memref<512x28xf32, #tpu.memory_space<vmem>> -> memref<256x28xf32, #tpu.memory_space<vmem>>
    %dma_wait3A_164 = arith.constant 0 : i32
    %dma_wait3A_165 = tpu.memref_slice %arg8[%mul3A_2, %dma_wait3A_164] : memref<16384x28xf32, #tpu.memory_space<hbm>> -> memref<256x28xf32, #tpu.memory_space<hbm>>
    %dma_wait3A_166 = arith.constant 0 : i32
    %dma_wait3A_167 = tpu.memref_slice %arg8[%mul3A_2, %dma_wait3A_166] : memref<16384x28xf32, #tpu.memory_space<hbm>> -> memref<256x28xf32, #tpu.memory_space<hbm>>
    %dma_wait3A_168 = arith.constant 0 : i32
    %dma_wait3A_169 = arith.constant 0 : i32
    %dma_wait3A_170 = tpu.memref_slice %arg15[%dma_wait3A_168, %dma_wait3A_169] : memref<512x28xf32, #tpu.memory_space<vmem>> -> memref<256x28xf32, #tpu.memory_space<vmem>>
    tpu.wait_dma2 semaphore(%arg16 : memref<!tpu.dma_semaphore, #tpu.memory_space<semaphore_mem>>) src(%dma_wait3A_170 : memref<256x28xf32, #tpu.memory_space<vmem>>) dst(%dma_wait3A_167 : memref<256x28xf32, #tpu.memory_space<hbm>>)
    %dma_wait3A_171 = arith.constant 256 : i32
    %dma_wait3A_172 = arith.constant 0 : i32
    %dma_wait3A_173 = tpu.memref_slice %arg15[%dma_wait3A_171, %dma_wait3A_172] : memref<512x28xf32, #tpu.memory_space<vmem>> -> memref<256x28xf32, #tpu.memory_space<vmem>>
    %dma_wait3A_174 = arith.constant 0 : i32
    %dma_wait3A_175 = tpu.memref_slice %arg8[%add3A_150, %dma_wait3A_174] : memref<16384x28xf32, #tpu.memory_space<hbm>> -> memref<256x28xf32, #tpu.memory_space<hbm>>
    %dma_wait3A_176 = arith.constant 0 : i32
    %dma_wait3A_177 = tpu.memref_slice %arg8[%add3A_150, %dma_wait3A_176] : memref<16384x28xf32, #tpu.memory_space<hbm>> -> memref<256x28xf32, #tpu.memory_space<hbm>>
    %dma_wait3A_178 = arith.constant 256 : i32
    %dma_wait3A_179 = arith.constant 0 : i32
    %dma_wait3A_180 = tpu.memref_slice %arg15[%dma_wait3A_178, %dma_wait3A_179] : memref<512x28xf32, #tpu.memory_space<vmem>> -> memref<256x28xf32, #tpu.memory_space<vmem>>
    tpu.wait_dma2 semaphore(%arg17 : memref<!tpu.dma_semaphore, #tpu.memory_space<semaphore_mem>>) src(%dma_wait3A_180 : memref<256x28xf32, #tpu.memory_space<vmem>>) dst(%dma_wait3A_177 : memref<256x28xf32, #tpu.memory_space<hbm>>)
    return
  }
}

</mosaic_0001>

<sc_bundles>
// kernel: kernel.3.cloned.1.call-start
scs
__scs_entry_jumppad:
0x0: {  	(pc) =	sbr.rel $0x88, $3  }
0x1: {  	(tag) =	ssettag $0x0;
	lr =	simm.s32 $0x1  }
0x2: {  	[smem:$0x3F9B] =	sst lr;
	_ =	strace $0xD0000000  }
0x3: {  	_ = 	snop  }
0x4: {  	_ = 	snop  }
0x5: {  	_ = 	snop  }
0x6: {  	_ = 	snop  }
0x7: {  	_ = 	snop  }
__scs_overlays_trampoline_lowered:
0x8: {  	[smem:$0x3FAA] =	sst s0  }
0x9: {  	[smem:$0x3FAB] =	sst s1  }
0xa: {  	[smem:$0x3FAC] =	sst s2  }
0xb: {  	[smem:$0x3FAD] =	sst s3  }
0xc: {  	[smem:$0x3FAE] =	sst s4  }
0xd: {  	[smem:$0x3FAF] =	sst s5  }
0xe: {  	[smem:$0x3FB0] =	sst s6  }
0xf: {  	[smem:$0x3FB1] =	sst s7  }
0x10: {  	[smem:$0x3FB2] =	sst s8  }
0x11: {  	[smem:$0x3FB3] =	sst s9;
	s0 =	simm.s32 @!p0 $0x0  }
0x12: {  	s1 =	sld [smem:$0x3F99];
	s0 =	simm.s32 @p0 $0x1  }
0x13: {  	[smem:$0x3FB4] =	sst s0;
	s0 =	simm.s32 @!p1 $0x0  }
0x14: {  	s2 =	sld [smem:$0x3F98];
	s0 =	simm.s32 @p1 $0x1  }
0x15: {  	[smem:$0x3FB5] =	sst s0;
	s0 =	simm.s32 @!p2 $0x0  }
0x16: {  	s3 =	sld [smem:$0x3FDB];
	s0 =	simm.s32 @p2 $0x1  }
0x17: {  	s4 =	simm.s32 $0x1BF5;
	[smem:$0x3FB7] =	sst s0  }
0x18: {  	s0 =	sld [smem:$0x3F9A];
	_ =	swait.ge [sflag:s4], $0x0  }
0x19: {  	s7 =	sld [smem:$0x3F9B]  }
0x1a: {  	s8 =	sadd.s32 $0xFFFFE003, lr  }
0x1b: {  	s9 =	sadd.s32 $0xFFFFFEF7, lr;
	s5 =	simm.s32 $0xFFFFFFFF;
	p2 =	slt.u32 s8, $0xFFFFF086  }
0x1c: {  	p1 =	slt.u32 s9, $0xF7A;
	s5 =	simm.s32 @!p2 $0x0  }
0x1d: {  	s5 =	simm.s32 @p1 $0x1;
	p0 =	seq.s32 s7, s2  }
0x1e: {  	s7 =	smul.u32 @!p0 $0xF7A, s2;
	p2 =	seq.s32 @!p0 s5, $0x0  }
0x1f: {  	s9 =	smul.u32 $0xF7A, s1;
	s8 =	simm.s32 @!p0 $0x1BF5;
	p2 =	por !p2, p0  }
0x20: {  	[sflag:s8] =	ssyncset.s32 @!p0 $0xFFFFF086;
	s6 =	sadd.s32 @!p0 s3, s7;
	s7 =	simm.s32 @!p0 $0x108  }
0x21: {  	s3 =	sadd.s32 s3, s9;
	s6 =	sadd.s32 @!p0 $0x88, s6;
	s7 =	simm.s32 @p2 $0x1082  }
0x22: {  	[simem:s7], [sflag:s8] =	dma.local @!p0 [hbm:s6], $0xF7A  }
0x23: {  	s9 =	sor.u32 $0xD0000000, s2;
	s6 =	simm.s32 $0x108;
	_ =	swait.ge @!p0 [sflag:s8], $0x0  }
0x24: {  	s3 =	sadd.s32 $0x88, s3;
	s6 =	simm.s32 @!p1 $0x1082;
	[sflag:s4] =	ssyncset.s32 $0xFFFFF086  }
0x25: {  	[simem:s6], [sflag:s4] =	dma.local [hbm:s3], $0xF7A  }
0x26: {  	[smem:$0x3F9B] =	sst s1;
	(tag) =	ssettag s2;
	_ =	strace s9  }
0x27: {  	s1 =	sld [smem:$0x3FAB]  }
0x28: {  	s2 =	sld [smem:$0x3FAC]  }
0x29: {  	s4 =	sld [smem:$0x3FAE]  }
0x2a: {  	p0 =	seq.s32 s5, $0x0;
	s5 =	sld [smem:$0x3FAF]  }
0x2b: {  	s6 =	sld [smem:$0x3FB0]  }
0x2c: {  	s7 =	sld [smem:$0x3FB1]  }
0x2d: {  	s3 =	simm.s32 $0x108;
	s8 =	sld [smem:$0x3FB2]  }
0x2e: {  	s3 =	simm.s32 @!p0 $0x1082;
	s9 =	sld [smem:$0x3FB3]  }
0x2f: {  	lr =	sadd.s32 s0, s3;
	s0 =	sld [smem:$0x3FAA]  }
0x30: {  	s3 =	sld [smem:$0x3FAD]  }
0x31: {  	[smem:$0x3FB6] =	sst s10  }
0x32: {  	s10 =	sld [smem:$0x3FB4];
	_ =	sdelay $0x3  }
0x33: {  	p0 =	seq.s32 s10, $0x1;
	s10 =	sld [smem:$0x3FB6];
	_ =	sdelay $0x3  }
0x34: {  	[smem:$0x3FB6] =	sst s10  }
0x35: {  	s10 =	sld [smem:$0x3FB5];
	_ =	sdelay $0x3  }
0x36: {  	p1 =	seq.s32 s10, $0x1;
	s10 =	sld [smem:$0x3FB6];
	_ =	sdelay $0x3  }
0x37: {  	[smem:$0x3FB6] =	sst s10  }
0x38: {  	s10 =	sld [smem:$0x3FB7]  }
0x39: {  	_ = 	snop;
	(pc) =	sbr.ind lr, $3  }
0x3a: {  	_ = 	snop  }
0x3b: {  	_ = 	snop  }
0x3c: {  	p2 =	seq.s32 s10, $0x1;
	s10 =	sld [smem:$0x3FB6]  }
0x3d: {  	_ =	shalt  }
0x3e: {  	_ =	shalt  }
0x3f: {  	_ =	shalt  }
0x40: {  	_ =	shalt  }
0x41: {  	_ =	shalt  }
0x42: {  	_ =	shalt  }
0x43: {  	_ =	shalt  }
0x44: {  	_ =	shalt  }
0x45: {  	_ =	shalt  }
0x46: {  	_ =	shalt  }
0x47: {  	_ =	shalt  }
0x48: {  	_ =	shalt  }
0x49: {  	_ =	shalt  }
0x4a: {  	_ =	shalt  }
0x4b: {  	_ =	shalt  }
0x4c: {  	_ =	shalt  }
0x4d: {  	_ =	shalt  }
0x4e: {  	_ =	shalt  }
0x4f: {  	_ =	shalt  }
0x50: {  	_ =	shalt  }
0x51: {  	_ =	shalt  }
0x52: {  	_ =	shalt  }
0x53: {  	_ =	shalt  }
0x54: {  	_ =	shalt  }
0x55: {  	_ =	shalt  }
0x56: {  	_ =	shalt  }
0x57: {  	_ =	shalt  }
0x58: {  	_ =	shalt  }
0x59: {  	_ =	shalt  }
0x5a: {  	_ =	shalt  }
0x5b: {  	_ =	shalt  }
0x5c: {  	_ =	shalt  }
0x5d: {  	_ =	shalt  }
0x5e: {  	_ =	shalt  }
0x5f: {  	_ =	shalt  }
0x60: {  	_ =	shalt  }
0x61: {  	_ =	shalt  }
0x62: {  	_ =	shalt  }
0x63: {  	_ =	shalt  }
0x64: {  	_ =	shalt  }
0x65: {  	_ =	shalt  }
0x66: {  	_ =	shalt  }
0x67: {  	_ =	shalt  }
0x68: {  	_ =	shalt  }
0x69: {  	_ =	shalt  }
0x6a: {  	_ =	shalt  }
0x6b: {  	_ =	shalt  }
0x6c: {  	_ =	shalt  }
0x6d: {  	_ =	shalt  }
0x6e: {  	_ =	shalt  }
0x6f: {  	_ =	shalt  }
0x70: {  	_ =	shalt  }
0x71: {  	_ =	shalt  }
0x72: {  	_ =	shalt  }
0x73: {  	_ =	shalt  }
0x74: {  	_ =	shalt  }
0x75: {  	_ =	shalt  }
0x76: {  	_ =	shalt  }
0x77: {  	_ =	shalt  }
0x78: {  	_ =	shalt  }
0x79: {  	_ =	shalt  }
0x7a: {  	_ =	shalt  }
0x7b: {  	_ =	shalt  }
0x7c: {  	_ =	shalt  }
0x7d: {  	_ =	shalt  }
0x7e: {  	_ =	shalt  }
0x7f: {  	_ =	shalt  }
0x80: {  	_ =	shalt  }
0x81: {  	_ =	shalt  }
0x82: {  	_ =	shalt  }
0x83: {  	_ =	shalt  }
0x84: {  	_ =	shalt  }
0x85: {  	_ =	shalt  }
0x86: {  	_ =	shalt  }
0x87: {  	_ =	shalt  }
.Lfunc_end0:
.L_simem_size_0:
called_computation_lowered:
.L_overlay_start_0:
0x88: {  	s2 =	sld [smem:$0x3FD9]  }
0x89: {  	s3 =	sld [smem:$0x3FFE];
	_ =	sdelay $0x1  }
0x8a: {  	s1 =	srdreg.scid  }
0x8b: {  	s0 =	sand.u32 $0x1, s1  }
0x8c: {  	s17 =	sshll.u32 s0, $0xA;
	s2 =	sadd.s32 s3, s2  }
0x8d: {  	s2 =	sadd.s32 s2, s17  }
0x8e: {  	[smem:$0x3FC2] =	sst s2  }
0x8f: {  	_ = 	snop  }
0x90: {  	s2 =	sld [smem:$0x3FC9]  }
0x91: {  	s18 =	sld [smem:$0x3FC8]  }
0x92: {  	s4 =	sld [smem:$0x3FC7]  }
0x93: {  	s5 =	sld [smem:$0x3FD0];
	(tm) =	ssettm $0x1  }
0x94: {  	s6 =	sld [smem:$0x3FFB];
	_ =	sdelay $0x3  }
0x95: {  	_ =	strace s6  }
0x96: {  	s6 =	sld [smem:$0x3FFC];
	_ =	sdelay $0x3  }
0x97: {  	_ =	strace s6  }
0x98: {  	s6 =	sld [smem:$0x3FFD];
	_ =	sdelay $0x3  }
0x99: {  	_ =	strace s6  }
0x9a: {  	_ =	strace $0x8FFFFFFF  }
0x9b: {  	s19 =	sld [smem:$0x3FDB];
	_ =	sdelay $0x1  }
0x9c: {  	s7 =	simm.s32 $_scs_section_size  }
0x9d: {  	s8 =	simm.s32 $_size__tile_overlayer_lowered;
	s9 =	simm.s32 $_tile_overlayer_lowered  }
0x9e: {  	s22 =	simm.s32 $0x1BFF;
	s21 =	sshll.u32 s9, $0x1;
	s6 =	sadd.s32 s7, s19  }
0x9f: {  	s10 =	simm.s32 $0x0;
	s20 =	sshll.u32 s8, $0x1;
	s8 =	sadd.s32 s21, s6  }
0xa0: {  	[timem:s10], [sflag:s22] =	dma.local [hbm:s8], s20  }
0xa1: {  	_ =	swait.ge [sflag:s22], s20  }
0xa2: {  	s7 =	ssub.s32 $0x0, s20;
	[sflag:s22] =	ssyncset.done $0x0  }
0xa3: {  	[sflag:s22] =	ssyncadd.s32 s7;
	_ =	sdelay $0x1  }
0xa4: {  	s23 =	simm.s32 $0x1B8B  }
0xa5: {  	_ =	swait.ge [sflag:s23], $0x1  }
0xa6: {  	[sflag:s23] =	ssyncset.done $0x0  }
0xa7: {  	s25 =	simm.s32 $0x1B8E;
	s24 =	sld [smem:$0x3FFE];
	[sflag:s23] =	ssyncadd.s32 $0xFFFFFFFF  }
0xa8: {  	s26 =	simm.s32 $execute0_lowered;
	[smem:$0x3FD2] =	sst s25  }
0xa9: {  	s8 =	sshll.u32 s26, $0x1;
	_ =	strace $0x80000046;
	[dreg:$0x1] =	wrdreg $0xFFFFFFFF  }
0xaa: {  	s28 =	simm.s32 $_size_execute0_lowered;
	s6 =	sadd.s32 s6, s8;
	[dreg:$0x0] =	wrdreg $0x0  }
0xab: {  	s8 =	sshll.u32 s28, $0x1;
	[dreg:$0x2] =	wrdreg s6  }
0xac: {  	[dreg:$0x3] =	wrdreg s8  }
0xad: {  	[dreg:$0x4] =	wrdreg $0xC0  }
0xae: {  	_ =	task [dreg:s10], $0x5FFFF  }
0xaf: {  	[dreg:$0x1] =	wrdreg $0xFFFFFFFF  }
0xb0: {  	[dreg:$0x0] =	wrdreg $0x60  }
0xb1: {  	[dreg:$0x2] =	wrdreg s2  }
0xb2: {  	[dreg:$0x3] =	wrdreg s18  }
0xb3: {  	[dreg:$0x4] =	wrdreg s4  }
0xb4: {  	[dreg:$0x5] =	wrdreg s5  }
0xb5: {  	[dreg:$0x6] =	wrdreg s24  }
0xb6: {  	[dreg:$0x7] =	wrdreg $0x9  }
0xb7: {  	_ =	task.clear_ibuf [dreg:s10], $0x8FFFF;
	_ =	strace $0x90000046  }
0xb8: {  	s29 =	simm.s32 $0x9;
	_ =	strace $0x80000048  }
0xb9: {  	_ =	swait.ge [sflag:s29], $0x1  }
0xba: {  	[sflag:s29] =	ssyncadd.s32 $0xFFFFFFFF  }
0xbb: {  	_ =	strace $0x90000048  }
0xbc: {  	_ =	sfence  }
0xbd: {  	s30 =	sld [smem:$0x0];
	_ =	sdelay $0x2  }
0xbe: {  	s31 =	sshll.u32 s1, $0xD;
	s1 =	sshrl.u32 s1, $0x2  }
0xbf: {  	s3 =	sand.u32 $0x4000, s31;
	s1 =	sadd.s32 s1, s30  }
0xc0: {  	s0 =	sor.u32 s3, s0;
	s1 =	sshll.u32 s1, $0x11  }
0xc1: {  	s0 =	sor.u32 s1, s0  }
0xc2: {  	s0 =	sadd.s32 $0x8F2B, s0  }
0xc3: {  	[sflag:s0] =	ssyncadd.remote.s32 $0x1  }
0xc4: {  	_ =	sfence.sel $0xFFFF  }
0xc5: {  	[dreg:$0x0] =	wrdreg $0xFFFFFFFF;
	(pc) =	sbr.abs _section_cstart, $3  }
0xc6: {  	[dreg:$0x1] =	wrdreg $0xFFFFFFFF  }
0xc7: {  	_ =	task.clear_ibuf [dreg:s10], $0x2FFFF;
	_ =	strace $0x9FFFFFFF  }
0xc8: {  	(tm) =	ssettm $0x7FFFFFFF  }
0xc9: {  	_ =	shalt  }
tec
execute0_lowered:
.L_overlay_start_1:
0x0: {  	(tag) =	ssettag $0x1  }
0x1: {  	s6 =	rddreg [dreg:$0x0]  }
0x2: {  	s7 =	rddreg [dreg:$0x1]  }
0x3: {  	s8 =	rddreg [dreg:$0x2]  }
0x4: {  	s1 =	rddreg [dreg:$0x3]  }
0x5: {  	s9 =	rddreg [dreg:$0x4]  }
0x6: {  	s0 =	rddreg [dreg:$0x5];
	s3 =	simm.s32 $0x0;
	s4 =	srdreg.scid  }
0x7: {  	s2 =	stileid.u32;
	s14 =	simm.s32 $0xE80;
	s15 =	simm.s32 $0x1  }
0x8: {  	v2 =	vlaneseq.u32;
	s16 =	simm.s32 $0x2;
	s17 =	simm.s32 $0x3;
	s18 =	simm.s32 $0xF00  }
0x9: {  	s19 =	simm.s32 $0x8F00;
	s20 =	simm.s32 $0x0;
	[smem:$0x7FF] =	sst s3;
	v0 =	vand.u32 $0x3, v2  }
0xa: {  	s5 =	sand.u32 $0x1, s4;
	s10 =	sshll.u32 s2, $0xA;
	s4 =	sadd.s32 $0x600, s9;
	v2 =	vshrl.u32 v2, $0x2;
	v1 =	vmul.u32 $0x64, v0;
	v3 =	vmul.u32 $0x32, v0  }
0xb: {  	_ =	strace $0x80000047;
	s11 =	sshll.u32 s5, $0x9;
	s30 =	ssub.s32 $0x2, s5;
	v8 =	vmul.u32 $0x5, v0;
	v9 =	vmul.u32 $0x80, v2;
	v10 =	vor.u32 $0x4, v2  }
0xc: {  	s5 =	sadd.s32 $0x400, s9;
	v11 =	vor.u32 $0x8, v2;
	v12 =	vor.u32 $0xC, v2;
	v16 =	vor.u32 $0x4, v0;
	s10 =	sor.u32 s11, s10;
	s13 =	sshrl.u32 s30, $0x1  }
0xd: {  	v17 =	vor.u32 $0x8, v0;
	v18 =	vor.u32 $0xC, v0;
	v19 =	vor.u32 $0x10, v0;
	s12 =	sshll.u32 s10, $0x4;
	s11 =	ssub.s32 s30, s13;
	s31 =	sshrl.u32 s10, $0x3  }
0xe: {  	v20 =	vor.u32 $0x14, v0;
	v21 =	vor.u32 $0x18, v0;
	v4 =	vadd.s32 $0x190, v1;
	s13 =	simm.s32 $0xC80;
	s12 =	sadd.s32 s12, s9;
	s6 =	sadd.s32 s6, s31  }
0xf: {  	v5 =	vadd.s32 $0x320, v1;
	v6 =	vadd.s32 $0x4B0, v1;
	v7 =	vadd.s32 $0xC8, v3;
	s7 =	sadd.s32 s7, s31;
	s8 =	sadd.s32 s8, s31;
	s11 =	smax.u32 s11, $0x1  }
0x10: {  	v13 =	vor.u32 $0x600, v9;
	v14 =	vor.u32 $0x400, v9;
	v15 =	vor.u32 $0x200, v9;
	s9 =	sadd.s32 $0x800, s12;
	s10 =	sadd.s32 $0x1800, s12;
	s12 =	simm.s32 $0x600  }
.LBB2_1:
0x11: {  	[tilespmem:s3], [sflag:$0x1] =	stream.linear.gather [hbm4b:s6+s3], $0x200, $0x38;
	[tilespmem:$0x10F00] =	vst v63  }
0x12: {  	s21 =	simm.s32 $0x200  }
0x13: {  	[tilespmem:s21], [sflag:$0x2] =	stream.linear.gather [hbm4b:s7+s3], $0x200, $0x38;
	[tilespmem:$0x10F00] =	vst v63  }
0x14: {  	s22 =	simm.s32 $0x400  }
0x15: {  	[tilespmem:s22], [sflag:$0x3] =	stream.linear.gather [hbm4b:s8+s3], $0x200, $0x38;
	[tilespmem:$0x10F00] =	vst v63  }
0x16: {  	_ = 	snop  }
0x17: {  	[tilespmem:s12], [sflag:$0x1] =	stream.linear.gather [hbm4b:s1+s3], $0x680, $0x38;
	[tilespmem:$0x10F00] =	vst v63  }
0x18: {  	_ = 	snop  }
0x19: {  	[tilespmem:s13], [sflag:$0x2] =	stream.linear.gather [hbm4b:s4+s3], $0x200, $0x38;
	[tilespmem:$0x10F00] =	vst v63  }
0x1a: {  	_ = 	snop  }
0x1b: {  	[tilespmem:s14], [sflag:$0x3] =	stream.linear.gather [hbm4b:s5+s3], $0x80, $0x38;
	[tilespmem:$0x10F00] =	vst v63  }
0x1c: {  	_ =	swait.ge [sflag:s15], $0x200  }
0x1d: {  	[sflag:s15] =	ssyncset.done $0x0  }
0x1e: {  	[sflag:s15] =	ssyncadd.s32 $0xFFFFFE00  }
0x1f: {  	_ =	swait.ge [sflag:s16], $0x200  }
0x20: {  	[sflag:s16] =	ssyncset.done $0x0  }
0x21: {  	[sflag:s16] =	ssyncadd.s32 $0xFFFFFE00  }
0x22: {  	_ =	swait.ge [sflag:s17], $0x200  }
0x23: {  	[sflag:s17] =	ssyncset.done $0x0  }
0x24: {  	[sflag:s17] =	ssyncadd.s32 $0xFFFFFE00  }
0x25: {  	_ =	swait.ge [sflag:s15], $0x680  }
0x26: {  	[sflag:s15] =	ssyncset.done $0x0  }
0x27: {  	[sflag:s15] =	ssyncadd.s32 $0xFFFFF980  }
0x28: {  	_ =	swait.ge [sflag:s16], $0x200  }
0x29: {  	[sflag:s16] =	ssyncset.done $0x0  }
0x2a: {  	[sflag:s16] =	ssyncadd.s32 $0xFFFFFE00  }
0x2b: {  	_ =	swait.ge [sflag:s17], $0x80  }
0x2c: {  	[sflag:s17] =	ssyncset.done $0x0  }
0x2d: {  	[sflag:s17] =	ssyncadd.s32 $0xFFFFFF80  }
0x2e: {  	v22 =	vld [tilespmem:s3+$0x0];
	_ =	sdelay $0x4  }
0x2f: {  	v30 =	vperm.xlane v22, v2  }
0x30: {  	v27 =	vperm.xlane v22, v11  }
0x31: {  	v28 =	vperm.xlane v22, v12;
	v23 =	vadd.s32 v5, v30  }
0x32: {  	v24 =	vadd.s32 v1, v27  }
0x33: {  	v26 =	vadd.s32 v1, v28  }
0x34: {  	v32 =	vld [tilespmem:s22+$0x0];
	v29 =	vperm.xlane v22, v10;
	v22 =	vadd.s32 v6, v28  }
0x35: {  	v36 =	vld [tilespmem:s21+$0x0];
	v31 =	vadd.s32 v5, v28  }
0x36: {  	v33 =	vadd.s32 v4, v29;
	v49 =	vld.idx.msk [tilespmem:v23+s12+$0x0], $0xffff  }
0x37: {  	v35 =	vadd.s32 v6, v29;
	v25 =	vld.idx.msk [tilespmem:v24+s12+$0x0], $0xffff  }
0x38: {  	v37 =	vadd.s32 v1, v29;
	v23 =	vld.idx.msk [tilespmem:v26+s12+$0x0], $0xffff  }
0x39: {  	v55 =	vadd.s32 v6, v27;
	v22 =	vld.idx.msk [tilespmem:v22+s12+$0x0], $0xffff  }
0x3a: {  	v40 =	vadd.s32 v4, v28;
	v24 =	vld.idx.msk [tilespmem:v31+s12+$0x0], $0xffff  }
0x3b: {  	v38 =	vadd.s32 v5, v29;
	v41 =	vadd.s32 v5, v27;
	v29 =	vld.idx.msk [tilespmem:v33+s12+$0x0], $0xffff  }
0x3c: {  	v58 =	vperm.xlane v36, v2;
	v56 =	vadd.s32 v6, v30;
	v31 =	vld.idx.msk [tilespmem:v35+s12+$0x0], $0xffff  }
0x3d: {  	v34 =	vadd.s32 v4, v27;
	v27 =	vperm.xlane v32, v10;
	v43 =	vadd.s32 v1, v30;
	v35 =	vld.idx.msk [tilespmem:v37+s12+$0x0], $0xffff  }
0x3e: {  	v30 =	vadd.s32 v4, v30;
	v28 =	vld.idx.msk [tilespmem:v55+s12+$0x0], $0xffff  }
0x3f: {  	v44 =	vperm.xlane v36, v10;
	v47 =	vadd.s32 v7, v58;
	v42 =	vadd.s32 v8, v27;
	v27 =	vld.idx.msk [tilespmem:v40+s12+$0x0], $0xffff  }
0x40: {  	v46 =	vperm.xlane v36, v12;
	v36 =	vperm.xlane v36, v11;
	v33 =	vld.idx.msk [tilespmem:v41+s12+$0x0], $0xffff  }
0x41: {  	v51 =	vld.idx.msk [tilespmem:v56+s12+$0x0], $0xffff  }
0x42: {  	v60 =	vadd.s32 v7, v36;
	v50 =	vld.idx.msk [tilespmem:v43+s12+$0x0], $0xffff  }
0x43: {  	v26 =	vperm.xlane v32, v2;
	v52 =	vld.idx.msk [tilespmem:v30+s12+$0x0], $0xffff  }
0x44: {  	v57 =	vperm.xlane v32, v11;
	v59 =	vadd.s32 v3, v44;
	v47 =	vld.idx.msk [tilespmem:v47+s13+$0x0], $0xffff  }
0x45: {  	v40 =	vadd.s32 v3, v58;
	v39 =	vadd.s32 v8, v26;
	v26 =	vld.idx.msk [tilespmem:v34+s12+$0x0], $0xffff  }
0x46: {  	v32 =	vperm.xlane v32, v12;
	v34 =	vld.idx.msk [tilespmem:v38+s12+$0x0], $0xffff;
	v38 =	vadd.s32 v8, v57  }
0x47: {  	v41 =	vld.idx.msk [tilespmem:v60+s13+$0x0], $0xffff  }
0x48: {  	v45 =	vadd.s32 v8, v32;
	v37 =	vld.idx.msk [tilespmem:v42+s14+$0x0], $0xffff  }
0x49: {  	v61 =	vmov s3;
	v43 =	vadd.s32 v7, v44;
	v42 =	vld.idx.msk [tilespmem:v59+s13+$0x0], $0xffff  }
0x4a: {  	v53 =	vshll.u32 v61, $0x7;
	v48 =	vadd.s32 v3, v36;
	v56 =	vld.idx.msk [tilespmem:v40+s13+$0x0], $0xffff  }
0x4b: {  	v55 =	vor.u32 v9, v53;
	v32 =	vld.idx.msk [tilespmem:v38+s14+$0x0], $0xffff;
	v38 =	vadd.s32 v3, v46  }
0x4c: {  	v62 =	vadd.s32 v7, v46;
	v63 =	vor.u32 v0, v55;
	v39 =	vld.idx.msk [tilespmem:v39+s14+$0x0], $0xffff  }
0x4d: {  	v54 =	vor.u32 v16, v55;
	v30 =	vld.idx.msk [tilespmem:v45+s14+$0x0], $0xffff  }
0x4e: {  	v45 =	vld.idx.msk [tilespmem:v43+s13+$0x0], $0xffff  }
0x4f: {  	v57 =	vor.u32 v17, v55;
	v43 =	vld.idx.msk [tilespmem:v48+s13+$0x0], $0xffff  }
0x50: {  	v58 =	vor.u32 v18, v55;
	v36 =	vld.idx.msk [tilespmem:v38+s13+$0x0], $0xffff  }
0x51: {  	v59 =	vor.u32 v19, v55;
	v38 =	vld.idx.msk [tilespmem:v62+s13+$0x0], $0xffff;
	[tilespmem:v63+s18+$0x0] =	vst.idx.msk $0xffff, v50  }
0x52: {  	v44 =	vor.u32 v14, v53;
	[tilespmem:v54+s18+$0x0] =	vst.idx.msk $0xffff, v52;
	v54 =	vor.u32 v20, v55  }
0x53: {  	v40 =	vor.u32 v13, v53;
	v48 =	vor.u32 v15, v53;
	v53 =	vor.u32 v21, v55  }
0x54: {  	v50 =	vor.u32 v0, v48;
	[tilespmem:v57+s18+$0x0] =	vst.idx.msk $0xffff, v49  }
0x55: {  	v46 =	vor.u32 v19, v48;
	v49 =	vor.u32 v16, v48;
	[tilespmem:v58+s18+$0x0] =	vst.idx.msk $0xffff, v51  }
0x56: {  	s23 =	simm.s32 $0x10;
	s24 =	simm.s32 $0x0;
	v52 =	vor.u32 v18, v48;
	v51 =	vor.u32 v17, v48;
	[tilespmem:v59+s18+$0x0] =	vst.idx.msk $0xffff, v56  }
.LBB2_2:
0x57: {  	[tilespmem:v54+s18+$0x0] =	vst.idx.msk $0xffff, v47;
	s24 =	sadd.s32 $0x10, s24;
	s21 =	sadd.s32 $0x10, s21;
	s22 =	sadd.s32 $0x10, s22  }
0x58: {  	p0 =	sne.s32 s23, $0xF0;
	s25 =	smov.u32 s23;
	s23 =	sadd.s32 $0x10, s23;
	[tilespmem:v53+s18+$0x0] =	vst.idx.msk $0xffff, v39;
	v39 =	vor.u32 v20, v48  }
0x59: {  	[tilespmem:v50+s18+$0x0] =	vst.idx.msk $0xffff, v35;
	v35 =	vor.u32 v21, v48  }
0x5a: {  	[tilespmem:v49+s18+$0x0] =	vst.idx.msk $0xffff, v29;
	v29 =	vor.u32 v0, v44  }
0x5b: {  	[tilespmem:v51+s18+$0x0] =	vst.idx.msk $0xffff, v34;
	v34 =	vor.u32 v16, v44  }
0x5c: {  	[tilespmem:v52+s18+$0x0] =	vst.idx.msk $0xffff, v31;
	v31 =	vor.u32 v17, v44  }
0x5d: {  	[tilespmem:v46+s18+$0x0] =	vst.idx.msk $0xffff, v42;
	v42 =	vor.u32 v18, v44  }
0x5e: {  	[tilespmem:v39+s18+$0x0] =	vst.idx.msk $0xffff, v45;
	v39 =	vor.u32 v19, v44  }
0x5f: {  	[tilespmem:v35+s18+$0x0] =	vst.idx.msk $0xffff, v37;
	v35 =	vor.u32 v20, v44  }
0x60: {  	[tilespmem:v29+s18+$0x0] =	vst.idx.msk $0xffff, v25;
	v25 =	vor.u32 v21, v44  }
0x61: {  	[tilespmem:v34+s18+$0x0] =	vst.idx.msk $0xffff, v26;
	v26 =	vor.u32 v0, v40  }
0x62: {  	v29 =	vor.u32 v16, v40;
	[tilespmem:v31+s18+$0x0] =	vst.idx.msk $0xffff, v33  }
0x63: {  	[tilespmem:v42+s18+$0x0] =	vst.idx.msk $0xffff, v28;
	v28 =	vor.u32 v17, v40  }
0x64: {  	v31 =	vor.u32 v18, v40;
	[tilespmem:v39+s18+$0x0] =	vst.idx.msk $0xffff, v43  }
0x65: {  	v33 =	vor.u32 v19, v40;
	[tilespmem:v35+s18+$0x0] =	vst.idx.msk $0xffff, v41  }
0x66: {  	[tilespmem:v25+s18+$0x0] =	vst.idx.msk $0xffff, v32;
	v25 =	vor.u32 v20, v40  }
0x67: {  	[tilespmem:v26+s18+$0x0] =	vst.idx.msk $0xffff, v23;
	v23 =	vor.u32 v21, v40  }
0x68: {  	[tilespmem:v29+s18+$0x0] =	vst.idx.msk $0xffff, v27  }
0x69: {  	[tilespmem:v28+s18+$0x0] =	vst.idx.msk $0xffff, v24  }
0x6a: {  	[tilespmem:v31+s18+$0x0] =	vst.idx.msk $0xffff, v22  }
0x6b: {  	[tilespmem:v33+s18+$0x0] =	vst.idx.msk $0xffff, v36  }
0x6c: {  	[tilespmem:v25+s18+$0x0] =	vst.idx.msk $0xffff, v38  }
0x6d: {  	[tilespmem:v23+s18+$0x0] =	vst.idx.msk $0xffff, v30  }
0x6e: {  	v22 =	vld [tilespmem:s24+$0x0];
	_ =	sdelay $0x4  }
0x6f: {  	v23 =	vperm.xlane v22, v2;
	v24 =	vperm.xlane v22, v10  }
0x70: {  	v26 =	vperm.xlane v22, v11;
	v22 =	vperm.xlane v22, v12  }
0x71: {  	v30 =	vadd.s32 v1, v23;
	v36 =	vadd.s32 v4, v23;
	v25 =	vadd.s32 v5, v23  }
0x72: {  	v32 =	vadd.s32 v6, v23;
	v23 =	vadd.s32 v1, v26;
	v27 =	vadd.s32 v6, v22  }
0x73: {  	v28 =	vadd.s32 v1, v24;
	v33 =	vadd.s32 v6, v26;
	v29 =	vadd.s32 v1, v22  }
0x74: {  	v31 =	vadd.s32 v4, v24;
	v38 =	vadd.s32 v4, v22;
	v34 =	vadd.s32 v5, v22;
	v37 =	vld [tilespmem:s22+$0x0]  }
0x75: {  	v39 =	vadd.s32 v5, v24;
	v40 =	vadd.s32 v6, v24;
	v41 =	vadd.s32 v4, v26;
	v35 =	vld [tilespmem:s21+$0x0]  }
0x76: {  	v49 =	vld.idx.msk [tilespmem:v25+s12+$0x0], $0xffff  }
0x77: {  	v25 =	vld.idx.msk [tilespmem:v23+s12+$0x0], $0xffff  }
0x78: {  	v42 =	vadd.s32 v5, v26;
	v23 =	vld.idx.msk [tilespmem:v29+s12+$0x0], $0xffff  }
0x79: {  	v26 =	vperm.xlane v37, v2;
	v43 =	vperm.xlane v37, v10;
	v22 =	vld.idx.msk [tilespmem:v27+s12+$0x0], $0xffff  }
0x7a: {  	v27 =	vperm.xlane v35, v2;
	v44 =	vperm.xlane v35, v10;
	v24 =	vld.idx.msk [tilespmem:v34+s12+$0x0], $0xffff  }
0x7b: {  	v34 =	vperm.xlane v35, v11;
	v46 =	vperm.xlane v35, v12;
	v45 =	vadd.s32 v8, v26;
	v29 =	vld.idx.msk [tilespmem:v31+s12+$0x0], $0xffff  }
0x7c: {  	v50 =	vadd.s32 v3, v27;
	v47 =	vadd.s32 v7, v27;
	v48 =	vadd.s32 v3, v44;
	v26 =	vld.idx.msk [tilespmem:v41+s12+$0x0], $0xffff  }
0x7d: {  	v51 =	vadd.s32 v3, v34;
	v41 =	vadd.s32 v7, v34;
	v52 =	vadd.s32 v3, v46;
	v31 =	vld.idx.msk [tilespmem:v40+s12+$0x0], $0xffff  }
0x7e: {  	v53 =	vadd.s32 v7, v44;
	v27 =	vperm.xlane v37, v11;
	v54 =	vadd.s32 v7, v46;
	v35 =	vld.idx.msk [tilespmem:v28+s12+$0x0], $0xffff  }
0x7f: {  	v37 =	vperm.xlane v37, v12;
	v40 =	vadd.s32 v8, v43;
	v34 =	vld.idx.msk [tilespmem:v39+s12+$0x0], $0xffff  }
0x80: {  	v43 =	vadd.s32 v8, v27;
	v39 =	vld.idx.msk [tilespmem:v45+s14+$0x0], $0xffff  }
0x81: {  	v44 =	vadd.s32 v8, v37;
	v28 =	vld.idx.msk [tilespmem:v33+s12+$0x0], $0xffff  }
0x82: {  	v27 =	vld.idx.msk [tilespmem:v38+s12+$0x0], $0xffff  }
0x83: {  	v33 =	vld.idx.msk [tilespmem:v42+s12+$0x0], $0xffff  }
0x84: {  	v55 =	vld.idx.msk [tilespmem:v32+s12+$0x0], $0xffff  }
0x85: {  	v37 =	vld.idx.msk [tilespmem:v40+s14+$0x0], $0xffff  }
0x86: {  	v56 =	vld.idx.msk [tilespmem:v30+s12+$0x0], $0xffff  }
0x87: {  	v32 =	vld.idx.msk [tilespmem:v43+s14+$0x0], $0xffff  }
0x88: {  	v57 =	vld.idx.msk [tilespmem:v36+s12+$0x0], $0xffff  }
0x89: {  	v30 =	vmov s25;
	v42 =	vld.idx.msk [tilespmem:v48+s13+$0x0], $0xffff  }
0x8a: {  	v36 =	vshll.u32 v30, $0x7;
	v30 =	vld.idx.msk [tilespmem:v44+s14+$0x0], $0xffff  }
0x8b: {  	v58 =	vor.u32 v9, v36;
	v48 =	vor.u32 v15, v36;
	v44 =	vor.u32 v14, v36;
	v47 =	vld.idx.msk [tilespmem:v47+s13+$0x0], $0xffff  }
0x8c: {  	v40 =	vor.u32 v13, v36;
	v46 =	vor.u32 v19, v48;
	v59 =	vld.idx.msk [tilespmem:v50+s13+$0x0], $0xffff;
	v50 =	vor.u32 v0, v58  }
0x8d: {  	v36 =	vld.idx.msk [tilespmem:v52+s13+$0x0], $0xffff;
	v52 =	vor.u32 v16, v58  }
0x8e: {  	v60 =	vor.u32 v17, v58;
	v45 =	vld.idx.msk [tilespmem:v53+s13+$0x0], $0xffff  }
0x8f: {  	v61 =	vor.u32 v18, v58;
	v41 =	vld.idx.msk [tilespmem:v41+s13+$0x0], $0xffff  }
0x90: {  	v62 =	vor.u32 v19, v58;
	v43 =	vld.idx.msk [tilespmem:v51+s13+$0x0], $0xffff  }
0x91: {  	v38 =	vld.idx.msk [tilespmem:v54+s13+$0x0], $0xffff;
	v54 =	vor.u32 v20, v58  }
.Ltmp0:
0x92: {  	v53 =	vor.u32 v21, v58;
	[tilespmem:v50+s18+$0x0] =	vst.idx.msk $0xffff, v56;
	(pc) =	sbr.rel @p0 .LBB2_2-.Ltmp0, $4  }
0x93: {  	v50 =	vor.u32 v0, v48;
	[tilespmem:v52+s18+$0x0] =	vst.idx.msk $0xffff, v57  }
0x94: {  	[tilespmem:v60+s18+$0x0] =	vst.idx.msk $0xffff, v49;
	v49 =	vor.u32 v16, v48  }
0x95: {  	v51 =	vor.u32 v17, v48;
	[tilespmem:v61+s18+$0x0] =	vst.idx.msk $0xffff, v55  }
0x96: {  	v52 =	vor.u32 v18, v48;
	[tilespmem:v62+s18+$0x0] =	vst.idx.msk $0xffff, v59  }
0x97: {  	_ =	sdelay $0x3  }
0x98: {  	[tilespmem:v54+s18+$0x0] =	vst.idx.msk $0xffff, v47  }
0x99: {  	[tilespmem:v53+s18+$0x0] =	vst.idx.msk $0xffff, v39  }
0x9a: {  	v59 =	vor.u32 v20, v48;
	[tilespmem:v50+s18+$0x0] =	vst.idx.msk $0xffff, v35  }
0x9b: {  	v60 =	vor.u32 v21, v48;
	[tilespmem:v49+s18+$0x0] =	vst.idx.msk $0xffff, v29  }
0x9c: {  	v29 =	vor.u32 v0, v44;
	[tilespmem:v51+s18+$0x0] =	vst.idx.msk $0xffff, v34  }
0x9d: {  	v61 =	vor.u32 v16, v44;
	[tilespmem:v52+s18+$0x0] =	vst.idx.msk $0xffff, v31  }
0x9e: {  	v31 =	vor.u32 v17, v44;
	[tilespmem:v46+s18+$0x0] =	vst.idx.msk $0xffff, v42  }
0x9f: {  	v62 =	vor.u32 v18, v44;
	[tilespmem:v59+s18+$0x0] =	vst.idx.msk $0xffff, v45  }
0xa0: {  	v63 =	vor.u32 v19, v44;
	[tilespmem:v60+s18+$0x0] =	vst.idx.msk $0xffff, v37  }
0xa1: {  	v37 =	vor.u32 v20, v44;
	[tilespmem:v29+s18+$0x0] =	vst.idx.msk $0xffff, v25  }
0xa2: {  	v25 =	vor.u32 v21, v44;
	[tilespmem:v61+s18+$0x0] =	vst.idx.msk $0xffff, v26  }
0xa3: {  	v26 =	vor.u32 v0, v40;
	[tilespmem:v31+s18+$0x0] =	vst.idx.msk $0xffff, v33  }
0xa4: {  	v29 =	vor.u32 v16, v40;
	[tilespmem:v62+s18+$0x0] =	vst.idx.msk $0xffff, v28  }
0xa5: {  	v28 =	vor.u32 v17, v40;
	[tilespmem:v63+s18+$0x0] =	vst.idx.msk $0xffff, v43  }
0xa6: {  	v31 =	vor.u32 v18, v40;
	[tilespmem:v37+s18+$0x0] =	vst.idx.msk $0xffff, v41  }
0xa7: {  	v42 =	vor.u32 v19, v40;
	[tilespmem:v25+s18+$0x0] =	vst.idx.msk $0xffff, v32  }
0xa8: {  	v25 =	vor.u32 v20, v40;
	[tilespmem:v26+s18+$0x0] =	vst.idx.msk $0xffff, v23  }
0xa9: {  	v23 =	vor.u32 v21, v40;
	[tilespmem:v29+s18+$0x0] =	vst.idx.msk $0xffff, v27  }
0xaa: {  	[tilespmem:v28+s18+$0x0] =	vst.idx.msk $0xffff, v24  }
0xab: {  	[tilespmem:v31+s18+$0x0] =	vst.idx.msk $0xffff, v22  }
0xac: {  	[tilespmem:v42+s18+$0x0] =	vst.idx.msk $0xffff, v36  }
0xad: {  	[tilespmem:v25+s18+$0x0] =	vst.idx.msk $0xffff, v38  }
0xae: {  	s21 =	simm.s32 $0x100;
	[tilespmem:v23+s18+$0x0] =	vst.idx.msk $0xffff, v30  }
0xaf: {  	[hbm4b:s9+s3] =	stream.linear.scatter [tilespmem:s18], [sflag:$0x1], $0x8000, $0x38;
	[tilespmem:$0x10F00] =	vst v63  }
0xb0: {  	v22 =	vld [tilespmem:s21+$0x0];
	_ =	sdelay $0x4  }
0xb1: {  	v30 =	vperm.xlane v22, v2  }
0xb2: {  	v27 =	vperm.xlane v22, v11  }
0xb3: {  	v28 =	vperm.xlane v22, v12;
	v23 =	vadd.s32 v5, v30  }
0xb4: {  	v24 =	vadd.s32 v1, v27  }
0xb5: {  	s22 =	simm.s32 $0x500;
	v26 =	vadd.s32 v1, v28  }
0xb6: {  	s23 =	simm.s32 $0x300;
	v32 =	vld [tilespmem:s22+$0x0];
	v29 =	vperm.xlane v22, v10;
	v22 =	vadd.s32 v6, v28  }
0xb7: {  	v36 =	vld [tilespmem:s23+$0x0];
	v31 =	vadd.s32 v5, v28  }
0xb8: {  	v43 =	vadd.s32 v4, v29;
	v49 =	vld.idx.msk [tilespmem:v23+s12+$0x0], $0xffff  }
0xb9: {  	v45 =	vadd.s32 v6, v29;
	v25 =	vld.idx.msk [tilespmem:v24+s12+$0x0], $0xffff  }
0xba: {  	v46 =	vadd.s32 v1, v29;
	v23 =	vld.idx.msk [tilespmem:v26+s12+$0x0], $0xffff  }
0xbb: {  	v47 =	vadd.s32 v5, v29;
	v22 =	vld.idx.msk [tilespmem:v22+s12+$0x0], $0xffff  }
0xbc: {  	v50 =	vadd.s32 v6, v27;
	v24 =	vld.idx.msk [tilespmem:v31+s12+$0x0], $0xffff  }
0xbd: {  	v51 =	vadd.s32 v4, v28;
	v29 =	vld.idx.msk [tilespmem:v43+s12+$0x0], $0xffff  }
0xbe: {  	v52 =	vadd.s32 v5, v27;
	v31 =	vld.idx.msk [tilespmem:v45+s12+$0x0], $0xffff  }
0xbf: {  	v57 =	vperm.xlane v36, v10;
	v53 =	vadd.s32 v6, v30;
	v35 =	vld.idx.msk [tilespmem:v46+s12+$0x0], $0xffff  }
0xc0: {  	v44 =	vadd.s32 v4, v27;
	v27 =	vperm.xlane v32, v10;
	v56 =	vadd.s32 v1, v30;
	v34 =	vld.idx.msk [tilespmem:v47+s12+$0x0], $0xffff  }
0xc1: {  	v58 =	vperm.xlane v36, v2;
	v30 =	vadd.s32 v4, v30;
	v28 =	vld.idx.msk [tilespmem:v50+s12+$0x0], $0xffff  }
0xc2: {  	v59 =	vadd.s32 v3, v57;
	v55 =	vadd.s32 v8, v27;
	v27 =	vld.idx.msk [tilespmem:v51+s12+$0x0], $0xffff  }
0xc3: {  	v61 =	vperm.xlane v36, v12;
	v36 =	vperm.xlane v36, v11;
	v62 =	vadd.s32 v7, v58;
	v33 =	vld.idx.msk [tilespmem:v52+s12+$0x0], $0xffff  }
0xc4: {  	v54 =	vperm.xlane v32, v11;
	v40 =	vadd.s32 v3, v58;
	v51 =	vld.idx.msk [tilespmem:v53+s12+$0x0], $0xffff  }
0xc5: {  	v41 =	vadd.s32 v7, v36;
	v26 =	vperm.xlane v32, v2;
	v32 =	vperm.xlane v32, v12;
	v50 =	vld.idx.msk [tilespmem:v56+s12+$0x0], $0xffff  }
0xc6: {  	v52 =	vld.idx.msk [tilespmem:v30+s12+$0x0], $0xffff  }
0xc7: {  	v42 =	vld.idx.msk [tilespmem:v59+s13+$0x0], $0xffff;
	v60 =	vadd.s32 v8, v32  }
0xc8: {  	v47 =	vld.idx.msk [tilespmem:v62+s13+$0x0], $0xffff  }
0xc9: {  	v56 =	vld.idx.msk [tilespmem:v40+s13+$0x0], $0xffff;
	v48 =	vadd.s32 v8, v26  }
0xca: {  	v63 =	vadd.s32 v3, v61;
	v41 =	vld.idx.msk [tilespmem:v41+s13+$0x0], $0xffff  }
0xcb: {  	v38 =	vadd.s32 v8, v54;
	v59 =	vmov s21;
	v26 =	vld.idx.msk [tilespmem:v44+s12+$0x0], $0xffff  }
0xcc: {  	v61 =	vadd.s32 v7, v61;
	v30 =	vld.idx.msk [tilespmem:v60+s14+$0x0], $0xffff;
	v60 =	vshll.u32 v59, $0x7  }
0xcd: {  	v43 =	vadd.s32 v7, v57;
	v37 =	vld.idx.msk [tilespmem:v55+s14+$0x0], $0xffff;
	v55 =	vor.u32 v9, v60  }
0xce: {  	v39 =	vld.idx.msk [tilespmem:v48+s14+$0x0], $0xffff;
	v48 =	vadd.s32 v3, v36;
	v62 =	vor.u32 v0, v55  }
0xcf: {  	v36 =	vld.idx.msk [tilespmem:v63+s13+$0x0], $0xffff;
	v63 =	vor.u32 v16, v55  }
0xd0: {  	v32 =	vld.idx.msk [tilespmem:v38+s14+$0x0], $0xffff;
	v57 =	vor.u32 v17, v55  }
0xd1: {  	v38 =	vld.idx.msk [tilespmem:v61+s13+$0x0], $0xffff;
	v58 =	vor.u32 v18, v55  }
0xd2: {  	v45 =	vld.idx.msk [tilespmem:v43+s13+$0x0], $0xffff;
	v59 =	vor.u32 v19, v55  }
0xd3: {  	v44 =	vor.u32 v14, v60;
	v54 =	vor.u32 v20, v55;
	v43 =	vld.idx.msk [tilespmem:v48+s13+$0x0], $0xffff;
	[tilespmem:v62+s18+$0x0] =	vst.idx.msk $0xffff, v50  }
0xd4: {  	v53 =	vor.u32 v21, v55;
	v48 =	vor.u32 v15, v60;
	[tilespmem:v63+s18+$0x0] =	vst.idx.msk $0xffff, v52  }
0xd5: {  	v40 =	vor.u32 v13, v60;
	v50 =	vor.u32 v0, v48;
	[tilespmem:v57+s18+$0x0] =	vst.idx.msk $0xffff, v49  }
0xd6: {  	v46 =	vor.u32 v19, v48;
	v49 =	vor.u32 v16, v48;
	[tilespmem:v58+s18+$0x0] =	vst.idx.msk $0xffff, v51  }
0xd7: {  	s24 =	simm.s32 $0x110;
	v52 =	vor.u32 v18, v48;
	v51 =	vor.u32 v17, v48;
	[tilespmem:v59+s18+$0x0] =	vst.idx.msk $0xffff, v56  }
.LBB2_4:
0xd8: {  	[tilespmem:v54+s18+$0x0] =	vst.idx.msk $0xffff, v47;
	s21 =	sadd.s32 $0x10, s21;
	s23 =	sadd.s32 $0x10, s23;
	s22 =	sadd.s32 $0x10, s22  }
0xd9: {  	p0 =	sne.s32 s24, $0x1F0;
	s25 =	smov.u32 s24;
	s24 =	sadd.s32 $0x10, s24;
	[tilespmem:v53+s18+$0x0] =	vst.idx.msk $0xffff, v39;
	v39 =	vor.u32 v20, v48  }
0xda: {  	[tilespmem:v50+s18+$0x0] =	vst.idx.msk $0xffff, v35;
	v35 =	vor.u32 v21, v48  }
0xdb: {  	[tilespmem:v49+s18+$0x0] =	vst.idx.msk $0xffff, v29;
	v29 =	vor.u32 v0, v44  }
0xdc: {  	[tilespmem:v51+s18+$0x0] =	vst.idx.msk $0xffff, v34;
	v34 =	vor.u32 v16, v44  }
0xdd: {  	[tilespmem:v52+s18+$0x0] =	vst.idx.msk $0xffff, v31;
	v31 =	vor.u32 v17, v44  }
0xde: {  	[tilespmem:v46+s18+$0x0] =	vst.idx.msk $0xffff, v42;
	v42 =	vor.u32 v18, v44  }
0xdf: {  	[tilespmem:v39+s18+$0x0] =	vst.idx.msk $0xffff, v45;
	v39 =	vor.u32 v19, v44  }
0xe0: {  	[tilespmem:v35+s18+$0x0] =	vst.idx.msk $0xffff, v37;
	v35 =	vor.u32 v20, v44  }
0xe1: {  	[tilespmem:v29+s18+$0x0] =	vst.idx.msk $0xffff, v25;
	v25 =	vor.u32 v21, v44  }
0xe2: {  	[tilespmem:v34+s18+$0x0] =	vst.idx.msk $0xffff, v26;
	v26 =	vor.u32 v0, v40  }
0xe3: {  	v29 =	vor.u32 v16, v40;
	[tilespmem:v31+s18+$0x0] =	vst.idx.msk $0xffff, v33  }
0xe4: {  	[tilespmem:v42+s18+$0x0] =	vst.idx.msk $0xffff, v28;
	v28 =	vor.u32 v17, v40  }
0xe5: {  	v31 =	vor.u32 v18, v40;
	[tilespmem:v39+s18+$0x0] =	vst.idx.msk $0xffff, v43  }
0xe6: {  	v33 =	vor.u32 v19, v40;
	[tilespmem:v35+s18+$0x0] =	vst.idx.msk $0xffff, v41  }
0xe7: {  	[tilespmem:v25+s18+$0x0] =	vst.idx.msk $0xffff, v32;
	v25 =	vor.u32 v20, v40  }
0xe8: {  	[tilespmem:v26+s18+$0x0] =	vst.idx.msk $0xffff, v23;
	v23 =	vor.u32 v21, v40  }
0xe9: {  	[tilespmem:v29+s18+$0x0] =	vst.idx.msk $0xffff, v27  }
0xea: {  	[tilespmem:v28+s18+$0x0] =	vst.idx.msk $0xffff, v24  }
0xeb: {  	[tilespmem:v31+s18+$0x0] =	vst.idx.msk $0xffff, v22  }
0xec: {  	[tilespmem:v33+s18+$0x0] =	vst.idx.msk $0xffff, v36  }
0xed: {  	[tilespmem:v25+s18+$0x0] =	vst.idx.msk $0xffff, v38  }
0xee: {  	[tilespmem:v23+s18+$0x0] =	vst.idx.msk $0xffff, v30  }
0xef: {  	v22 =	vld [tilespmem:s21+$0x0];
	_ =	sdelay $0x4  }
0xf0: {  	v23 =	vperm.xlane v22, v2;
	v24 =	vperm.xlane v22, v10  }
0xf1: {  	v26 =	vperm.xlane v22, v11;
	v22 =	vperm.xlane v22, v12  }
0xf2: {  	v30 =	vadd.s32 v1, v23;
	v36 =	vadd.s32 v4, v23;
	v25 =	vadd.s32 v5, v23  }
0xf3: {  	v32 =	vadd.s32 v6, v23;
	v23 =	vadd.s32 v1, v26;
	v27 =	vadd.s32 v6, v22  }
0xf4: {  	v28 =	vadd.s32 v1, v24;
	v33 =	vadd.s32 v6, v26;
	v29 =	vadd.s32 v1, v22  }
0xf5: {  	v31 =	vadd.s32 v4, v24;
	v38 =	vadd.s32 v4, v22;
	v34 =	vadd.s32 v5, v22;
	v37 =	vld [tilespmem:s22+$0x0]  }
0xf6: {  	v39 =	vadd.s32 v5, v24;
	v40 =	vadd.s32 v6, v24;
	v41 =	vadd.s32 v4, v26;
	v35 =	vld [tilespmem:s23+$0x0]  }
0xf7: {  	v49 =	vld.idx.msk [tilespmem:v25+s12+$0x0], $0xffff  }
0xf8: {  	v25 =	vld.idx.msk [tilespmem:v23+s12+$0x0], $0xffff  }
0xf9: {  	v42 =	vadd.s32 v5, v26;
	v23 =	vld.idx.msk [tilespmem:v29+s12+$0x0], $0xffff  }
0xfa: {  	v26 =	vperm.xlane v37, v2;
	v43 =	vperm.xlane v37, v10;
	v22 =	vld.idx.msk [tilespmem:v27+s12+$0x0], $0xffff  }
0xfb: {  	v27 =	vperm.xlane v35, v2;
	v44 =	vperm.xlane v35, v10;
	v24 =	vld.idx.msk [tilespmem:v34+s12+$0x0], $0xffff  }
0xfc: {  	v34 =	vperm.xlane v35, v11;
	v46 =	vperm.xlane v35, v12;
	v45 =	vadd.s32 v8, v26;
	v29 =	vld.idx.msk [tilespmem:v31+s12+$0x0], $0xffff  }
0xfd: {  	v50 =	vadd.s32 v3, v27;
	v47 =	vadd.s32 v7, v27;
	v48 =	vadd.s32 v3, v44;
	v26 =	vld.idx.msk [tilespmem:v41+s12+$0x0], $0xffff  }
0xfe: {  	v51 =	vadd.s32 v3, v34;
	v41 =	vadd.s32 v7, v34;
	v52 =	vadd.s32 v3, v46;
	v31 =	vld.idx.msk [tilespmem:v40+s12+$0x0], $0xffff  }
0xff: {  	v53 =	vadd.s32 v7, v44;
	v27 =	vperm.xlane v37, v11;
	v54 =	vadd.s32 v7, v46;
	v35 =	vld.idx.msk [tilespmem:v28+s12+$0x0], $0xffff  }
0x100: {  	v37 =	vperm.xlane v37, v12;
	v40 =	vadd.s32 v8, v43;
	v34 =	vld.idx.msk [tilespmem:v39+s12+$0x0], $0xffff  }
0x101: {  	v43 =	vadd.s32 v8, v27;
	v39 =	vld.idx.msk [tilespmem:v45+s14+$0x0], $0xffff  }
0x102: {  	v44 =	vadd.s32 v8, v37;
	v28 =	vld.idx.msk [tilespmem:v33+s12+$0x0], $0xffff  }
0x103: {  	v27 =	vld.idx.msk [tilespmem:v38+s12+$0x0], $0xffff  }
0x104: {  	v33 =	vld.idx.msk [tilespmem:v42+s12+$0x0], $0xffff  }
0x105: {  	v55 =	vld.idx.msk [tilespmem:v32+s12+$0x0], $0xffff  }
0x106: {  	v37 =	vld.idx.msk [tilespmem:v40+s14+$0x0], $0xffff  }
0x107: {  	v56 =	vld.idx.msk [tilespmem:v30+s12+$0x0], $0xffff  }
0x108: {  	v32 =	vld.idx.msk [tilespmem:v43+s14+$0x0], $0xffff  }
0x109: {  	v57 =	vld.idx.msk [tilespmem:v36+s12+$0x0], $0xffff  }
0x10a: {  	v30 =	vmov s25;
	v42 =	vld.idx.msk [tilespmem:v48+s13+$0x0], $0xffff  }
0x10b: {  	v36 =	vshll.u32 v30, $0x7;
	v30 =	vld.idx.msk [tilespmem:v44+s14+$0x0], $0xffff  }
0x10c: {  	v58 =	vor.u32 v9, v36;
	v48 =	vor.u32 v15, v36;
	v44 =	vor.u32 v14, v36;
	v47 =	vld.idx.msk [tilespmem:v47+s13+$0x0], $0xffff  }
0x10d: {  	v40 =	vor.u32 v13, v36;
	v46 =	vor.u32 v19, v48;
	v59 =	vld.idx.msk [tilespmem:v50+s13+$0x0], $0xffff;
	v50 =	vor.u32 v0, v58  }
0x10e: {  	v36 =	vld.idx.msk [tilespmem:v52+s13+$0x0], $0xffff;
	v52 =	vor.u32 v16, v58  }
0x10f: {  	v60 =	vor.u32 v17, v58;
	v45 =	vld.idx.msk [tilespmem:v53+s13+$0x0], $0xffff  }
0x110: {  	v61 =	vor.u32 v18, v58;
	v41 =	vld.idx.msk [tilespmem:v41+s13+$0x0], $0xffff  }
0x111: {  	v62 =	vor.u32 v19, v58;
	v43 =	vld.idx.msk [tilespmem:v51+s13+$0x0], $0xffff  }
0x112: {  	v38 =	vld.idx.msk [tilespmem:v54+s13+$0x0], $0xffff;
	v54 =	vor.u32 v20, v58  }
.Ltmp1:
0x113: {  	v53 =	vor.u32 v21, v58;
	[tilespmem:v50+s18+$0x0] =	vst.idx.msk $0xffff, v56;
	(pc) =	sbr.rel @p0 .LBB2_4-.Ltmp1, $4  }
0x114: {  	v50 =	vor.u32 v0, v48;
	[tilespmem:v52+s18+$0x0] =	vst.idx.msk $0xffff, v57  }
0x115: {  	[tilespmem:v60+s18+$0x0] =	vst.idx.msk $0xffff, v49;
	v49 =	vor.u32 v16, v48  }
0x116: {  	v51 =	vor.u32 v17, v48;
	[tilespmem:v61+s18+$0x0] =	vst.idx.msk $0xffff, v55  }
0x117: {  	v52 =	vor.u32 v18, v48;
	[tilespmem:v62+s18+$0x0] =	vst.idx.msk $0xffff, v59  }
0x118: {  	_ =	sdelay $0x3  }
0x119: {  	[tilespmem:v54+s18+$0x0] =	vst.idx.msk $0xffff, v47  }
0x11a: {  	[tilespmem:v53+s18+$0x0] =	vst.idx.msk $0xffff, v39  }
0x11b: {  	v47 =	vor.u32 v20, v48;
	[tilespmem:v50+s18+$0x0] =	vst.idx.msk $0xffff, v35  }
0x11c: {  	v48 =	vor.u32 v21, v48;
	[tilespmem:v49+s18+$0x0] =	vst.idx.msk $0xffff, v29  }
0x11d: {  	v50 =	vor.u32 v0, v44;
	[tilespmem:v51+s18+$0x0] =	vst.idx.msk $0xffff, v34  }
0x11e: {  	v51 =	vor.u32 v16, v44;
	[tilespmem:v52+s18+$0x0] =	vst.idx.msk $0xffff, v31  }
0x11f: {  	v53 =	vor.u32 v17, v44;
	[tilespmem:v46+s18+$0x0] =	vst.idx.msk $0xffff, v42  }
0x120: {  	v54 =	vor.u32 v18, v44;
	[tilespmem:v47+s18+$0x0] =	vst.idx.msk $0xffff, v45  }
0x121: {  	v55 =	vor.u32 v19, v44;
	[tilespmem:v48+s18+$0x0] =	vst.idx.msk $0xffff, v37  }
0x122: {  	v56 =	vor.u32 v20, v44;
	[tilespmem:v50+s18+$0x0] =	vst.idx.msk $0xffff, v25  }
0x123: {  	v57 =	vor.u32 v21, v44;
	[tilespmem:v51+s18+$0x0] =	vst.idx.msk $0xffff, v26  }
0x124: {  	v58 =	vor.u32 v0, v40;
	[tilespmem:v53+s18+$0x0] =	vst.idx.msk $0xffff, v33  }
0x125: {  	v59 =	vor.u32 v16, v40;
	[tilespmem:v54+s18+$0x0] =	vst.idx.msk $0xffff, v28  }
0x126: {  	v60 =	vor.u32 v17, v40;
	[tilespmem:v55+s18+$0x0] =	vst.idx.msk $0xffff, v43  }
0x127: {  	v61 =	vor.u32 v18, v40;
	[tilespmem:v56+s18+$0x0] =	vst.idx.msk $0xffff, v41  }
0x128: {  	v62 =	vor.u32 v19, v40;
	[tilespmem:v57+s18+$0x0] =	vst.idx.msk $0xffff, v32  }
0x129: {  	v63 =	vor.u32 v20, v40;
	[tilespmem:v58+s18+$0x0] =	vst.idx.msk $0xffff, v23  }
0x12a: {  	v23 =	vor.u32 v21, v40;
	[tilespmem:v59+s18+$0x0] =	vst.idx.msk $0xffff, v27  }
0x12b: {  	[tilespmem:v60+s18+$0x0] =	vst.idx.msk $0xffff, v24  }
0x12c: {  	[tilespmem:v61+s18+$0x0] =	vst.idx.msk $0xffff, v22  }
0x12d: {  	[tilespmem:v62+s18+$0x0] =	vst.idx.msk $0xffff, v36  }
0x12e: {  	[tilespmem:v63+s18+$0x0] =	vst.idx.msk $0xffff, v38  }
0x12f: {  	s20 =	sadd.s32 $0x1, s20;
	[tilespmem:v23+s18+$0x0] =	vst.idx.msk $0xffff, v30  }
0x130: {  	[hbm4b:s10+s3] =	stream.linear.scatter [tilespmem:s19], [sflag:$0x2], $0x8000, $0x38;
	[tilespmem:$0x10F00] =	vst v63  }
0x131: {  	p0 =	sne.s32 s20, s11;
	_ =	swait.ge [sflag:s15], $0x8000  }
.Ltmp2:
0x132: {  	[sflag:s15] =	ssyncset.done $0x0;
	(pc) =	sbr.rel @p0 .LBB2_1-.Ltmp2, $4  }
0x133: {  	[sflag:s15] =	ssyncadd.s32 $0xFFFF8000  }
0x134: {  	_ =	swait.ge [sflag:s16], $0x8000  }
0x135: {  	[sflag:s16] =	ssyncset.done $0x0  }
0x136: {  	[sflag:s16] =	ssyncadd.s32 $0xFFFF8000  }
0x137: {  	_ =	sfence.sel $0x180000  }
0x138: {  	[bflag:$0x0] =	sbarrier.arrive $0xFFFF  }
0x139: {  	p0 =	sne.s32 s2, $0x0;
	_ =	strace $0x90000047  }
0x13a: {  	s0 =	sadd.s32 @!p0 $0x100000, s0;
	[bflag:$0x2] =	sbarrier.arrive $0xFFFF  }
0x13b: {  	[sflag:s0] =	ssyncadd.tile.s32 @!p0 $0x1;
	_ =	shalt  }
.Lfunc_end2:
_tile_overlayer_lowered:
.L_overlay_start_2:
0x13c: {  	(tag) =	ssettag $0x2  }
0x13d: {  	s0 =	rddreg [dreg:$0x0];
	s2 =	stileid.u32  }
0x13e: {  	s1 =	rddreg [dreg:$0x1];
	p0 =	sne.s32 s2, $0x0  }
0x13f: {  	s3 =	rddreg [dreg:$0x2];
	[bflag:$0x3] =	sbarrier.arrive $0xFFFF;
	s2 =	simm.s32 @!p0 $0x1C04  }
0x140: {  	[timem:s3], [sflag:s2] =	dma.local @!p0 [hbm:s0], s1  }
0x141: {  	s0 =	simm.s32 @!p0 $0x4  }
0x142: {  	_ =	swait.ge @!p0 [sflag:s0], s1  }
0x143: {  	s1 =	ssub.s32 @!p0 $0x0, s1;
	[sflag:s0] =	ssyncset.done @!p0 $0x0  }
0x144: {  	[sflag:s0] =	ssyncadd.s32 @!p0 s1  }
0x145: {  	[bflag:$0x3] =	sbarrier.arrive $0xFFFF  }
0x146: {  	_ =	shalt  }

</sc_bundles>
